<compile_context>
chip_gen: v7x
topology: tpu7x:2x2x1
jax: 0.10.2.dev20260603
libtpu: 0.0.44.dev20260713+nightly
codegen_flags: <defaults>
</compile_context>

<pallas_src>
import jax
import jax.numpy as jnp
from jax import lax
from jax.experimental import pallas as pl
from jax.experimental.pallas import tpu as pltpu
from jax.experimental.pallas import tpu_sc as plsc

B = 8
L = 4096
D = 1024
T = 256
K = L // T
TB = 1024
KO = L // TB
JJ = TB // T
WIN = 272
CLIP_LO = 1e-4
CLIP_HI = 1.0 - 1e-4


def _prep_body(mask_hbm, p_hbm, psort_hbm, idx_hbm, nb_hbm,
               mask_v, p_v, psort_v, idx_v, sem):
    wid = lax.axis_index("s") * 2 + lax.axis_index("c")

    @pl.when(wid < B)
    def _():
        pltpu.async_copy(mask_hbm.at[wid], mask_v, sem).wait()
        pltpu.async_copy(p_hbm.at[wid], p_v, sem).wait()

        fill = jnp.full((16,), 0.5, jnp.float32)

        def body(j, cnt_vec):
            m16 = mask_v[pl.ds(j * 16, 16)]
            mb = m16 > 0
            p16 = p_v[pl.ds(j * 16, 16)]
            psort_v[pl.ds(j * 16, 16)] = fill
            cum = plsc.cumsum(m16)
            pbv = cum + cnt_vec - 1
            idx_v[pl.ds(j * 16, 16)] = pbv
            plsc.store_scatter(psort_v, [pbv], p16, mask=mb)
            return cnt_vec + plsc.all_reduce_population_count(mb)

        total = lax.fori_loop(0, L // 16, body, jnp.zeros((16,), jnp.int32))

        pltpu.async_copy(psort_v, psort_hbm.at[wid], sem).wait()
        pltpu.async_copy(idx_v, idx_hbm.at[wid], sem).wait()
        mask_v[pl.ds(0, 16)] = total
        pltpu.async_copy(mask_v.at[pl.ds(0, 16)],
                         nb_hbm.at[pl.ds(wid * 16, 16)], sem).wait()


def _sc_prep(mask_i32, p_raw):
    mesh = plsc.VectorSubcoreMesh(core_axis_name="c", subcore_axis_name="s")
    fn = pl.kernel(
        _prep_body,
        mesh=mesh,
        out_type=(
            jax.ShapeDtypeStruct((B, L), jnp.float32),
            jax.ShapeDtypeStruct((B, L), jnp.int32),
            jax.ShapeDtypeStruct((B * 16,), jnp.int32),
        ),
        scratch_types=[
            pltpu.VMEM((L,), jnp.int32),
            pltpu.VMEM((L,), jnp.float32),
            pltpu.VMEM((L,), jnp.float32),
            pltpu.VMEM((L,), jnp.int32),
            pltpu.SemaphoreType.DMA,
        ],
        compiler_params=pltpu.CompilerParams(needs_layout_passes=False),
    )
    return fn(mask_i32, p_raw)


def _scan_body(nb_ref, ps_ref, hs_ref, idx_ref, out_ref, h_ref, yscr_ref):
    b = pl.program_id(0)
    ko = pl.program_id(1)
    nb = nb_ref[b]

    @pl.when(ko == 0)
    def _():
        h_ref[...] = jnp.zeros_like(h_ref)
        yscr_ref[pl.ds(T, WIN - T), :] = jnp.zeros((WIN - T, D), jnp.bfloat16)

    row = lax.broadcasted_iota(jnp.int32, (T, T), 0)
    col = lax.broadcasted_iota(jnp.int32, (T, T), 1)
    tri_u = (row <= col).astype(jnp.bfloat16)

    for j in range(JJ):
        kg = ko * JJ + j
        valid = kg * T < nb

        @pl.when(valid)
        def _(j=j, kg=kg):
            ps = ps_ref[0, j, :, :]
            p = jnp.clip(ps, CLIP_LO, CLIP_HI)
            dt = jnp.log(1.0 / (1.0 - p))
            dth = dt.astype(jnp.bfloat16).astype(jnp.float32)
            pb = p.astype(jnp.bfloat16).astype(jnp.float32)

            dt_bc = jnp.broadcast_to(dth, (T, T))
            s_col = jnp.sum(jnp.where(col <= row, dt_bc, 0.0),
                            axis=1, keepdims=True)
            s_row = jnp.dot(dth.astype(jnp.bfloat16), tri_u,
                            preferred_element_type=jnp.float32)

            mlog = jnp.broadcast_to(s_row, (T, T)) - s_col
            w = (jnp.where(col <= row, jnp.exp(mlog), 0.0)
                 * jnp.broadcast_to(pb, (T, T)))

            xs = hs_ref[0, pl.ds(j * T, T), :]
            xb = xs.astype(jnp.bfloat16)

            y0 = jnp.dot(w.astype(jnp.bfloat16), xb,
                         preferred_element_type=jnp.float32)
            y = y0 + jnp.exp(-s_col) * h_ref[0:1, :]
            h_ref[0:1, :] = y[T - 1:T, :]
            yscr_ref[pl.ds(kg * T, T), :] = y.astype(jnp.bfloat16)

        @pl.when(jnp.logical_not(valid) & ((kg - 2) * T < nb))
        def _(kg=kg):
            yscr_ref[pl.ds(kg * T, T), :] = jnp.zeros((T, D), jnp.bfloat16)

        pbcol = idx_ref[0, j, :, :]
        w0 = idx_ref[0, j, 0, 0]
        w0a = pl.multiple_of(
            jnp.maximum(jnp.minimum((w0 // 16) * 16, (kg + 1) * T - WIN), 0),
            16)
        ywin = yscr_ref[pl.ds(w0a, WIN), :]
        local = pbcol - w0a
        oh = (jnp.broadcast_to(local, (T, WIN))
              == lax.broadcasted_iota(jnp.int32, (T, WIN), 1)
              ).astype(jnp.bfloat16)
        out_ref[0, pl.ds(j * T, T), :] = jnp.dot(
            oh, ywin, preferred_element_type=jnp.float32)


def _tc_scan_gather(p_sorted, hidden, idx, nb):
    ps_r = p_sorted.reshape(B, K, 1, T)
    idx_r = idx.reshape(B, K, T, 1)

    def last_blk(nb_ref, b):
        return jnp.minimum(jnp.maximum(nb_ref[b] - 1, 0) // TB, KO - 1)

    grid_spec = pltpu.PrefetchScalarGridSpec(
        num_scalar_prefetch=1,
        grid=(B, KO),
        in_specs=[
            pl.BlockSpec((1, JJ, 1, T),
                         lambda b, ko, nb_ref:
                         (b, jnp.minimum(ko, last_blk(nb_ref, b)), 0, 0)),
            pl.BlockSpec((1, TB, D),
                         lambda b, ko, nb_ref:
                         (b, jnp.minimum(ko, last_blk(nb_ref, b)), 0)),
            pl.BlockSpec((1, JJ, T, 1),
                         lambda b, ko, nb_ref: (b, ko, 0, 0)),
        ],
        out_specs=pl.BlockSpec((1, TB, D), lambda b, ko, nb_ref: (b, ko, 0)),
        scratch_shapes=[
            pltpu.VMEM((8, D), jnp.float32),
            pltpu.VMEM((L, D), jnp.bfloat16),
        ],
    )
    return pl.pallas_call(
        _scan_body,
        grid_spec=grid_spec,
        out_shape=jax.ShapeDtypeStruct((B, L, D), jnp.float32),
        compiler_params=pltpu.CompilerParams(
            dimension_semantics=("parallel", "arbitrary"),
        ),
    )(nb, ps_r, hidden, idx_r)


def kernel(hidden_states, boundary_mask, boundary_prob):
    mask_i32 = boundary_mask.astype(jnp.int32)
    p_raw = boundary_prob[..., 1].astype(jnp.float32)
    p_sorted, idx, nb16 = _sc_prep(mask_i32, p_raw)
    nb = nb16.reshape(B, 16)[:, 0]
    return _tc_scan_gather(p_sorted, hidden_states, idx, nb)

# --- scband reference (transcript-rebuilt; emitter-appended) ---
"""Pipeline reference for scband-de-chunk-layer-53584011985408 (READ-ONLY COPY).

The authoritative reference and input builder live on the scoring server;
editing this copy changes nothing except your own understanding.
"""

import jax, jax.numpy as jnp
import numpy as np

B = 8
L = 4096
D_MODEL = 1024
HEADDIM = 64
NHEADS = D_MODEL // HEADDIM
BLOCK_SIZE = 256


def setup_inputs(seed: int = 0) -> dict:
    key = jax.random.key(seed)
    k1, k2, k3 = jax.random.split(key, 3)
    hidden_states = jax.random.normal(k1, (B, L, D_MODEL), dtype=jnp.float32)
    bm = jax.random.randint(k2, (B, L), 0, 2).astype(bool)
    # ensure first token of each row is a boundary so plug_back_idx >= 0 (matches valid torch usage)
    bm = bm.at[:, 0].set(True)
    boundary_prob = jax.random.uniform(k3, (B, L, 2), dtype=jnp.float32)
    return {"hidden_states": hidden_states, "boundary_mask": bm, "boundary_prob": boundary_prob}


def _ssm_scan(x, dt, b, c):
    # Faithful sequential SSM recurrence equivalent to mamba_chunk_scan_combined with
    # A = -1 per head, dstate = 1 (B, C scalar per token), D = None, z = None.
    # x: (B, M, H, P) f32; dt: (B, M, H) f32; b, c: (B, M) f32
    Bb, M, Hn, Pd = x.shape

    def step(h, inp):
        dt_t, b_t, c_t, x_t = inp  # dt_t: (B,H), b_t/c_t: (B,), x_t: (B,H,P)
        dA = jnp.exp(-dt_t)  # exp(A * dt), A = -1
        h = dA[..., None] * h + (dt_t * b_t[:, None])[..., None] * x_t
        y = c_t[:, None, None] * h
        return h, y

    init = jnp.zeros((Bb, Hn, Pd), jnp.float32)
    xs = (jnp.moveaxis(dt, 1, 0), jnp.moveaxis(b, 1, 0), jnp.moveaxis(c, 1, 0), jnp.moveaxis(x, 1, 0))
    _, ys = jax.lax.scan(step, init, xs)
    return jnp.moveaxis(ys, 0, 1)  # (B, M, H, P)


def reference(hidden_states, boundary_mask, boundary_prob):
    original_dtype = hidden_states.dtype
    p = jnp.clip(boundary_prob[..., -1].astype(jnp.float32), 0.0001, 1 - 0.0001)
    Bb, Ls = boundary_mask.shape
    token_idx = jnp.arange(Ls)[None, :] + (~boundary_mask).astype(jnp.int32) * Ls
    seq_sorted_indices = jnp.argsort(token_idx, axis=1)
    M = hidden_states.shape[1]
    p = jnp.take_along_axis(p, seq_sorted_indices[:, :M], axis=1)
    dt = jnp.log(1.0 / (1.0 - p)).astype(jnp.bfloat16)
    x = (hidden_states / dt[..., None].astype(jnp.float32)).astype(jnp.bfloat16)
    b = p.astype(jnp.bfloat16)
    c = jnp.ones_like(b)
    xh = x.reshape(Bb, M, NHEADS, HEADDIM).astype(jnp.float32)
    dth = jnp.broadcast_to(dt[..., None], (Bb, M, NHEADS)).astype(jnp.float32)
    y = _ssm_scan(xh, dth, b.astype(jnp.float32), c.astype(jnp.float32))
    out = y.astype(jnp.bfloat16).reshape(Bb, M, NHEADS * HEADDIM)
    plug_back_idx = jnp.cumsum(boundary_mask.astype(jnp.int32), axis=1) - 1
    idx = jnp.broadcast_to(plug_back_idx[:, :, None], (Bb, Ls, NHEADS * HEADDIM))
    out = jnp.take_along_axis(out, idx, axis=1)
    return out.astype(original_dtype)

if __name__ == "__main__":
    import jax
    _d = setup_inputs()
    print(jax.jit(kernel)(*tuple(_d.values())))

</pallas_src>

<mosaic_0001>
#map = affine_map<(d0, d1) -> (0, 0)>
#map1 = affine_map<(d0, d1) -> (0)>
module attributes {stable_mosaic.version = 14 : i64} {
  func.func @_prep_body(%arg0: i32, %arg1: i32, %arg2: memref<8x4096xi32, #tpu.memory_space<hbm>>, %arg3: memref<8x4096xf32, #tpu.memory_space<hbm>>, %arg4: memref<8x4096xf32, #tpu.memory_space<hbm>>, %arg5: memref<8x4096xi32, #tpu.memory_space<hbm>>, %arg6: memref<128xi32, #tpu.memory_space<hbm>>, %arg7: memref<4096xi32, #tpu.memory_space<vmem>>, %arg8: memref<4096xf32, #tpu.memory_space<vmem>>, %arg9: memref<4096xf32, #tpu.memory_space<vmem>>, %arg10: memref<4096xi32, #tpu.memory_space<vmem>>, %arg11: memref<!tpu.dma_semaphore, #tpu.memory_space<semaphore_mem>>) attributes {dimension_semantics = [#tpu.dimension_semantics<core_parallel>, #tpu.dimension_semantics<subcore_parallel>], iteration_bounds = array<i64: 2, 16>, scalar_prefetch = 0 : i64, scratch_operands = 5 : i64, tpu.core_type = #tpu.core_type<sc_vector_subcore>, window_params = [{transform_indices = #map}, {transform_indices = #map}, {transform_indices = #map}, {transform_indices = #map}, {transform_indices = #map1}]} {
    %mul3A = arith.constant 2 : i32
    %mul3A_0 = arith.muli %arg1, %mul3A : i32
    %add3A = arith.addi %mul3A_0, %arg0 : i32
    %lt3A = arith.constant 8 : i32
    %lt3A_1 = arith.cmpi slt, %add3A, %lt3A : i32
    %convert_element_type3A = arith.extui %lt3A_1 : i1 to i32
    %cond3A = arith.constant 0 : i32
    %cond3A_2 = arith.cmpi ne, %convert_element_type3A, %cond3A : i32
    scf.if %cond3A_2 {
      %dma_start3A = arith.constant 0 : i32
      %dma_start3A_3 = tpu.memref_slice %arg2[%add3A, %dma_start3A] : memref<8x4096xi32, #tpu.memory_space<hbm>> -> memref<1x4096xi32, #tpu.memory_space<hbm>>
      %dma_start3A_4 = tpu.memref_squeeze %dma_start3A_3 : memref<1x4096xi32, #tpu.memory_space<hbm>> -> memref<4096xi32, #tpu.memory_space<hbm>>
      %dma_start3A_5 = arith.constant 0 : i32
      %dma_start3A_6 = tpu.memref_slice %arg2[%add3A, %dma_start3A_5] : memref<8x4096xi32, #tpu.memory_space<hbm>> -> memref<1x4096xi32, #tpu.memory_space<hbm>>
      %dma_start3A_7 = tpu.memref_squeeze %dma_start3A_6 : memref<1x4096xi32, #tpu.memory_space<hbm>> -> memref<4096xi32, #tpu.memory_space<hbm>>
      tpu.enqueue_dma source(%dma_start3A_7 : memref<4096xi32, #tpu.memory_space<hbm>>) target(%arg7 : memref<4096xi32, #tpu.memory_space<vmem>>) target_semaphore(%arg11 : memref<!tpu.dma_semaphore, #tpu.memory_space<semaphore_mem>>)
      %dma_wait3A = arith.constant 0 : i32
      %dma_wait3A_8 = tpu.memref_slice %arg2[%add3A, %dma_wait3A] : memref<8x4096xi32, #tpu.memory_space<hbm>> -> memref<1x4096xi32, #tpu.memory_space<hbm>>
      %dma_wait3A_9 = tpu.memref_squeeze %dma_wait3A_8 : memref<1x4096xi32, #tpu.memory_space<hbm>> -> memref<4096xi32, #tpu.memory_space<hbm>>
      %dma_wait3A_10 = arith.constant 0 : i32
      %dma_wait3A_11 = tpu.memref_slice %arg2[%add3A, %dma_wait3A_10] : memref<8x4096xi32, #tpu.memory_space<hbm>> -> memref<1x4096xi32, #tpu.memory_space<hbm>>
      %dma_wait3A_12 = tpu.memref_squeeze %dma_wait3A_11 : memref<1x4096xi32, #tpu.memory_space<hbm>> -> memref<4096xi32, #tpu.memory_space<hbm>>
      tpu.wait_dma2 semaphore(%arg11 : memref<!tpu.dma_semaphore, #tpu.memory_space<semaphore_mem>>) src(%dma_wait3A_12 : memref<4096xi32, #tpu.memory_space<hbm>>) dst(%arg7 : memref<4096xi32, #tpu.memory_space<vmem>>)
      %dma_start3A_13 = arith.constant 0 : i32
      %dma_start3A_14 = tpu.memref_slice %arg3[%add3A, %dma_start3A_13] : memref<8x4096xf32, #tpu.memory_space<hbm>> -> memref<1x4096xf32, #tpu.memory_space<hbm>>
      %dma_start3A_15 = tpu.memref_squeeze %dma_start3A_14 : memref<1x4096xf32, #tpu.memory_space<hbm>> -> memref<4096xf32, #tpu.memory_space<hbm>>
      %dma_start3A_16 = arith.constant 0 : i32
      %dma_start3A_17 = tpu.memref_slice %arg3[%add3A, %dma_start3A_16] : memref<8x4096xf32, #tpu.memory_space<hbm>> -> memref<1x4096xf32, #tpu.memory_space<hbm>>
      %dma_start3A_18 = tpu.memref_squeeze %dma_start3A_17 : memref<1x4096xf32, #tpu.memory_space<hbm>> -> memref<4096xf32, #tpu.memory_space<hbm>>
      tpu.enqueue_dma source(%dma_start3A_18 : memref<4096xf32, #tpu.memory_space<hbm>>) target(%arg8 : memref<4096xf32, #tpu.memory_space<vmem>>) target_semaphore(%arg11 : memref<!tpu.dma_semaphore, #tpu.memory_space<semaphore_mem>>)
      %dma_wait3A_19 = arith.constant 0 : i32
      %dma_wait3A_20 = tpu.memref_slice %arg3[%add3A, %dma_wait3A_19] : memref<8x4096xf32, #tpu.memory_space<hbm>> -> memref<1x4096xf32, #tpu.memory_space<hbm>>
      %dma_wait3A_21 = tpu.memref_squeeze %dma_wait3A_20 : memref<1x4096xf32, #tpu.memory_space<hbm>> -> memref<4096xf32, #tpu.memory_space<hbm>>
      %dma_wait3A_22 = arith.constant 0 : i32
      %dma_wait3A_23 = tpu.memref_slice %arg3[%add3A, %dma_wait3A_22] : memref<8x4096xf32, #tpu.memory_space<hbm>> -> memref<1x4096xf32, #tpu.memory_space<hbm>>
      %dma_wait3A_24 = tpu.memref_squeeze %dma_wait3A_23 : memref<1x4096xf32, #tpu.memory_space<hbm>> -> memref<4096xf32, #tpu.memory_space<hbm>>
      tpu.wait_dma2 semaphore(%arg11 : memref<!tpu.dma_semaphore, #tpu.memory_space<semaphore_mem>>) src(%dma_wait3A_24 : memref<4096xf32, #tpu.memory_space<hbm>>) dst(%arg8 : memref<4096xf32, #tpu.memory_space<vmem>>)
      %broadcast_in_dim3A = arith.constant 5.000000e-01 : f32
      %broadcast_in_dim3A_25 = vector.broadcast %broadcast_in_dim3A : f32 to vector<16xf32>
      %broadcast_in_dim3A_26 = arith.constant 0 : i32
      %broadcast_in_dim3A_27 = vector.broadcast %broadcast_in_dim3A_26 : i32 to vector<16xi32>
      %scan3A = arith.constant 0 : i32
      %scan3A_28 = arith.constant 256 : i32
      %scan3A_29 = arith.addi %scan3A, %scan3A_28 : i32
      %scan3A_30 = arith.constant 1 : i32
      %scan3A_31 = scf.for %scan3A_72 = %scan3A to %scan3A_29 step %scan3A_30 iter_args(%scan3A_73 = %broadcast_in_dim3A_27) -> (vector<16xi32>)  : i32 {
        %mul3A_74 = arith.constant 16 : i32
        %mul3A_75 = arith.muli %scan3A_72, %mul3A_74 : i32
        %get3A = arith.index_cast %mul3A_75 : i32 to index
        %get3A_76 = tpu.vector_load %arg7[%get3A] {strides = array<i32>} : memref<4096xi32, #tpu.memory_space<vmem>>, vector<16xi32>,
        %gt3A = arith.constant 0 : i32
        %gt3A_77 = vector.broadcast %gt3A : i32 to vector<16xi32>
        %gt3A_78 = arith.cmpi sgt, %get3A_76, %gt3A_77 : vector<16xi32>
        %mul3A_79 = arith.constant 16 : i32
        %mul3A_80 = arith.muli %scan3A_72, %mul3A_79 : i32
        %get3A_81 = arith.index_cast %mul3A_80 : i32 to index
        %get3A_82 = tpu.vector_load %arg8[%get3A_81] {strides = array<i32>} : memref<4096xf32, #tpu.memory_space<vmem>>, vector<16xf32>,
        %mul3A_83 = arith.constant 16 : i32
        %mul3A_84 = arith.muli %scan3A_72, %mul3A_83 : i32
        %swap3A_85 = arith.index_cast %mul3A_84 : i32 to index
        %swap3A_86 = tpu.vector_load %arg9[%swap3A_85] {strides = array<i32>} : memref<4096xf32, #tpu.memory_space<vmem>>, vector<16xf32>,
        tpu.vector_store %arg9[%swap3A_85], %broadcast_in_dim3A_25 {strides = array<i32>} : memref<4096xf32, #tpu.memory_space<vmem>>, vector<16xf32>,
        %broadcast_in_dim3A_87 = arith.constant true
        %broadcast_in_dim3A_88 = vector.broadcast %broadcast_in_dim3A_87 : i1 to vector<16xi1>
        %masked_cumsum3A = tpu.scan <sum>, %get3A_76 masked %broadcast_in_dim3A_88 : vector<16xi32>, vector<16xi1> -> vector<16xi32>
        %add3A_89 = arith.addi %masked_cumsum3A, %scan3A_73 : vector<16xi32>
        %sub3A = arith.constant 1 : i32
        %sub3A_90 = vector.broadcast %sub3A : i32 to vector<16xi32>
        %sub3A_91 = arith.subi %add3A_89, %sub3A_90 : vector<16xi32>
        %mul3A_92 = arith.constant 16 : i32
        %mul3A_93 = arith.muli %scan3A_72, %mul3A_92 : i32
        %swap3A_94 = arith.index_cast %mul3A_93 : i32 to index
        %swap3A_95 = tpu.vector_load %arg10[%swap3A_94] {strides = array<i32>} : memref<4096xi32, #tpu.memory_space<vmem>>, vector<16xi32>,
        tpu.vector_store %arg10[%swap3A_94], %sub3A_91 {strides = array<i32>} : memref<4096xi32, #tpu.memory_space<vmem>>, vector<16xi32>,
        tpu.vector_store_idx %arg9[%sub3A_91], %get3A_82 masked %gt3A_78 : memref<4096xf32, #tpu.memory_space<vmem>>[vector<16xi32>], vector<16xf32>, vector<16xi1>
        %all_reduce_population_count3A = tpu.all_reduce %gt3A_78 {dim = 0 : i64, kind = #tpu.reduction_kind<sum>} : vector<16xi1> -> vector<16xi32>
        %add3A_96 = arith.addi %scan3A_73, %all_reduce_population_count3A : vector<16xi32>
        scf.yield %add3A_96 : vector<16xi32>
      }
      %scan3A_32 = arith.constant 256 : i32
      %dma_start3A_33 = arith.constant 0 : i32
      %dma_start3A_34 = tpu.memref_slice %arg4[%add3A, %dma_start3A_33] : memref<8x4096xf32, #tpu.memory_space<hbm>> -> memref<1x4096xf32, #tpu.memory_space<hbm>>
      %dma_start3A_35 = tpu.memref_squeeze %dma_start3A_34 : memref<1x4096xf32, #tpu.memory_space<hbm>> -> memref<4096xf32, #tpu.memory_space<hbm>>
      %dma_start3A_36 = arith.constant 0 : i32
      %dma_start3A_37 = tpu.memref_slice %arg4[%add3A, %dma_start3A_36] : memref<8x4096xf32, #tpu.memory_space<hbm>> -> memref<1x4096xf32, #tpu.memory_space<hbm>>
      %dma_start3A_38 = tpu.memref_squeeze %dma_start3A_37 : memref<1x4096xf32, #tpu.memory_space<hbm>> -> memref<4096xf32, #tpu.memory_space<hbm>>
      tpu.enqueue_dma source(%arg9 : memref<4096xf32, #tpu.memory_space<vmem>>) target(%dma_start3A_38 : memref<4096xf32, #tpu.memory_space<hbm>>) target_semaphore(%arg11 : memref<!tpu.dma_semaphore, #tpu.memory_space<semaphore_mem>>)
      %dma_wait3A_39 = arith.constant 0 : i32
      %dma_wait3A_40 = tpu.memref_slice %arg4[%add3A, %dma_wait3A_39] : memref<8x4096xf32, #tpu.memory_space<hbm>> -> memref<1x4096xf32, #tpu.memory_space<hbm>>
      %dma_wait3A_41 = tpu.memref_squeeze %dma_wait3A_40 : memref<1x4096xf32, #tpu.memory_space<hbm>> -> memref<4096xf32, #tpu.memory_space<hbm>>
      %dma_wait3A_42 = arith.constant 0 : i32
      %dma_wait3A_43 = tpu.memref_slice %arg4[%add3A, %dma_wait3A_42] : memref<8x4096xf32, #tpu.memory_space<hbm>> -> memref<1x4096xf32, #tpu.memory_space<hbm>>
      %dma_wait3A_44 = tpu.memref_squeeze %dma_wait3A_43 : memref<1x4096xf32, #tpu.memory_space<hbm>> -> memref<4096xf32, #tpu.memory_space<hbm>>
      tpu.wait_dma2 semaphore(%arg11 : memref<!tpu.dma_semaphore, #tpu.memory_space<semaphore_mem>>) src(%arg9 : memref<4096xf32, #tpu.memory_space<vmem>>) dst(%dma_wait3A_44 : memref<4096xf32, #tpu.memory_space<hbm>>)
      %dma_start3A_45 = arith.constant 0 : i32
      %dma_start3A_46 = tpu.memref_slice %arg5[%add3A, %dma_start3A_45] : memref<8x4096xi32, #tpu.memory_space<hbm>> -> memref<1x4096xi32, #tpu.memory_space<hbm>>
      %dma_start3A_47 = tpu.memref_squeeze %dma_start3A_46 : memref<1x4096xi32, #tpu.memory_space<hbm>> -> memref<4096xi32, #tpu.memory_space<hbm>>
      %dma_start3A_48 = arith.constant 0 : i32
      %dma_start3A_49 = tpu.memref_slice %arg5[%add3A, %dma_start3A_48] : memref<8x4096xi32, #tpu.memory_space<hbm>> -> memref<1x4096xi32, #tpu.memory_space<hbm>>
      %dma_start3A_50 = tpu.memref_squeeze %dma_start3A_49 : memref<1x4096xi32, #tpu.memory_space<hbm>> -> memref<4096xi32, #tpu.memory_space<hbm>>
      tpu.enqueue_dma source(%arg10 : memref<4096xi32, #tpu.memory_space<vmem>>) target(%dma_start3A_50 : memref<4096xi32, #tpu.memory_space<hbm>>) target_semaphore(%arg11 : memref<!tpu.dma_semaphore, #tpu.memory_space<semaphore_mem>>)
      %dma_wait3A_51 = arith.constant 0 : i32
      %dma_wait3A_52 = tpu.memref_slice %arg5[%add3A, %dma_wait3A_51] : memref<8x4096xi32, #tpu.memory_space<hbm>> -> memref<1x4096xi32, #tpu.memory_space<hbm>>
      %dma_wait3A_53 = tpu.memref_squeeze %dma_wait3A_52 : memref<1x4096xi32, #tpu.memory_space<hbm>> -> memref<4096xi32, #tpu.memory_space<hbm>>
      %dma_wait3A_54 = arith.constant 0 : i32
      %dma_wait3A_55 = tpu.memref_slice %arg5[%add3A, %dma_wait3A_54] : memref<8x4096xi32, #tpu.memory_space<hbm>> -> memref<1x4096xi32, #tpu.memory_space<hbm>>
      %dma_wait3A_56 = tpu.memref_squeeze %dma_wait3A_55 : memref<1x4096xi32, #tpu.memory_space<hbm>> -> memref<4096xi32, #tpu.memory_space<hbm>>
      tpu.wait_dma2 semaphore(%arg11 : memref<!tpu.dma_semaphore, #tpu.memory_space<semaphore_mem>>) src(%arg10 : memref<4096xi32, #tpu.memory_space<vmem>>) dst(%dma_wait3A_56 : memref<4096xi32, #tpu.memory_space<hbm>>)
      %swap3A = arith.constant 0 : index
      %swap3A_57 = tpu.vector_load %arg7[%swap3A] {strides = array<i32>} : memref<4096xi32, #tpu.memory_space<vmem>>, vector<16xi32>,
      tpu.vector_store %arg7[%swap3A], %scan3A_31 {strides = array<i32>} : memref<4096xi32, #tpu.memory_space<vmem>>, vector<16xi32>,
      %mul3A_58 = arith.constant 16 : i32
      %mul3A_59 = arith.muli %add3A, %mul3A_58 : i32
      %dma_start3A_60 = arith.constant 0 : i32
      %dma_start3A_61 = tpu.memref_slice %arg7[%dma_start3A_60] : memref<4096xi32, #tpu.memory_space<vmem>> -> memref<16xi32, #tpu.memory_space<vmem>>
      %dma_start3A_62 = tpu.memref_slice %arg6[%mul3A_59] : memref<128xi32, #tpu.memory_space<hbm>> -> memref<16xi32, #tpu.memory_space<hbm>>
      %dma_start3A_63 = tpu.memref_slice %arg6[%mul3A_59] : memref<128xi32, #tpu.memory_space<hbm>> -> memref<16xi32, #tpu.memory_space<hbm>>
      %dma_start3A_64 = arith.constant 0 : i32
      %dma_start3A_65 = tpu.memref_slice %arg7[%dma_start3A_64] : memref<4096xi32, #tpu.memory_space<vmem>> -> memref<16xi32, #tpu.memory_space<vmem>>
      tpu.enqueue_dma source(%dma_start3A_65 : memref<16xi32, #tpu.memory_space<vmem>>) target(%dma_start3A_63 : memref<16xi32, #tpu.memory_space<hbm>>) target_semaphore(%arg11 : memref<!tpu.dma_semaphore, #tpu.memory_space<semaphore_mem>>)
      %dma_wait3A_66 = arith.constant 0 : i32
      %dma_wait3A_67 = tpu.memref_slice %arg7[%dma_wait3A_66] : memref<4096xi32, #tpu.memory_space<vmem>> -> memref<16xi32, #tpu.memory_space<vmem>>
      %dma_wait3A_68 = tpu.memref_slice %arg6[%mul3A_59] : memref<128xi32, #tpu.memory_space<hbm>> -> memref<16xi32, #tpu.memory_space<hbm>>
      %dma_wait3A_69 = tpu.memref_slice %arg6[%mul3A_59] : memref<128xi32, #tpu.memory_space<hbm>> -> memref<16xi32, #tpu.memory_space<hbm>>
      %dma_wait3A_70 = arith.constant 0 : i32
      %dma_wait3A_71 = tpu.memref_slice %arg7[%dma_wait3A_70] : memref<4096xi32, #tpu.memory_space<vmem>> -> memref<16xi32, #tpu.memory_space<vmem>>
      tpu.wait_dma2 semaphore(%arg11 : memref<!tpu.dma_semaphore, #tpu.memory_space<semaphore_mem>>) src(%dma_wait3A_71 : memref<16xi32, #tpu.memory_space<vmem>>) dst(%dma_wait3A_69 : memref<16xi32, #tpu.memory_space<hbm>>)
    } else {
    }
    return
  }
}

module attributes {stable_mosaic.version = 14 : i64} {
  func.func @_scan_body(%arg0: i32, %arg1: i32, %arg2: memref<8xi32, #tpu.memory_space<smem>>, %arg3: memref<1x4x1x256xf32, #tpu.memory_space<vmem>>, %arg4: memref<1x1024x1024xf32, #tpu.memory_space<vmem>>, %arg5: memref<1x4x256x1xi32, #tpu.memory_space<vmem>>, %arg6: memref<1x1024x1024xf32, #tpu.memory_space<vmem>>, %arg7: memref<8x1024xf32, #tpu.memory_space<vmem>>, %arg8: memref<4096x1024xbf16, #tpu.memory_space<vmem>>) attributes {dimension_semantics = [#tpu.dimension_semantics<parallel>, #tpu.dimension_semantics<arbitrary>], iteration_bounds = array<i64: 8, 4>, scalar_prefetch = 1 : i64, scratch_operands = 2 : i64, tpu.core_type = #tpu.core_type<tc>, window_params = [{transform_indices = @transform_0, window_bounds = array<i64: 1, 4, 1, 256>}, {transform_indices = @transform_1, window_bounds = array<i64: 1, 1024, 1024>}, {transform_indices = @transform_2, window_bounds = array<i64: 1, 4, 256, 1>}, {transform_indices = @transform_3, window_bounds = array<i64: 1, 1024, 1024>}]} {
    %get3A = arith.index_cast %arg0 : i32 to index
    %get3A_0 = memref.load %arg2[%get3A] : memref<8xi32, #tpu.memory_space<smem>>
    %eq3A = arith.constant 0 : i32
    %eq3A_1 = arith.cmpi eq, %arg1, %eq3A : i32
    %convert_element_type3A = arith.extui %eq3A_1 : i1 to i32
    %cond3A = arith.constant 0 : i32
    %cond3A_2 = arith.cmpi ne, %convert_element_type3A, %cond3A : i32
    scf.if %cond3A_2 {
      %broadcast_in_dim3A_345 = arith.constant 0.000000e+00 : f32
      %broadcast_in_dim3A_346 = vector.broadcast %broadcast_in_dim3A_345 : f32 to vector<8x1024xf32>
      %swap3A_347 = arith.constant 0 : index
      %swap3A_348 = arith.constant 0 : index
      %swap3A_349 = vector.load %arg7[%swap3A_347, %swap3A_348] : memref<8x1024xf32, #tpu.memory_space<vmem>>, vector<8x1024xf32>
      tpu.vector_store %arg7[%swap3A_347, %swap3A_348], %broadcast_in_dim3A_346 {strides = array<i32>} : memref<8x1024xf32, #tpu.memory_space<vmem>>, vector<8x1024xf32>,
      %broadcast_in_dim3A_350 = arith.constant 0.000000e+00 : bf16
      %broadcast_in_dim3A_351 = vector.broadcast %broadcast_in_dim3A_350 : bf16 to vector<16x1024xbf16>
      %swap3A_352 = arith.constant 256 : index
      %swap3A_353 = arith.constant 0 : index
      %swap3A_354 = vector.load %arg8[%swap3A_352, %swap3A_353] : memref<4096x1024xbf16, #tpu.memory_space<vmem>>, vector<16x1024xbf16>
      tpu.vector_store %arg8[%swap3A_352, %swap3A_353], %broadcast_in_dim3A_351 {strides = array<i32>} : memref<4096x1024xbf16, #tpu.memory_space<vmem>>, vector<16x1024xbf16>,
    } else {
    }
    %iota3A = tpu.iota {dimensions = array<i32: 0>} : vector<256x256xi32>
    %iota3A_3 = tpu.iota {dimensions = array<i32: 1>} : vector<256x256xi32>
    %le3A = arith.cmpi sle, %iota3A, %iota3A_3 : vector<256x256xi32>
    %convert_element_type3A_4 = arith.extui %le3A : vector<256x256xi1> to vector<256x256xi32>
    %convert_element_type3A_5 = arith.sitofp %convert_element_type3A_4 : vector<256x256xi32> to vector<256x256xf32>
    %convert_element_type3A_6 = arith.truncf %convert_element_type3A_5 : vector<256x256xf32> to vector<256x256xbf16>
    %mul3A = arith.constant 4 : i32
    %mul3A_7 = arith.muli %arg1, %mul3A : i32
    %add3A = arith.constant 0 : i32
    %add3A_8 = arith.addi %mul3A_7, %add3A : i32
    %mul3A_9 = arith.constant 256 : i32
    %mul3A_10 = arith.muli %add3A_8, %mul3A_9 : i32
    %lt3A = arith.cmpi slt, %mul3A_10, %get3A_0 : i32
    %convert_element_type3A_11 = arith.extui %lt3A : i1 to i32
    %cond3A_12 = arith.constant 0 : i32
    %cond3A_13 = arith.cmpi ne, %convert_element_type3A_11, %cond3A_12 : i32
    scf.if %cond3A_13 {
      %get3A_345 = arith.constant 0 : index
      %get3A_346 = arith.constant 0 : index
      %get3A_347 = arith.constant 0 : index
      %get3A_348 = arith.constant 0 : index
      %get3A_349 = vector.load %arg3[%get3A_345, %get3A_346, %get3A_347, %get3A_348] : memref<1x4x1x256xf32, #tpu.memory_space<vmem>>, vector<1x1x1x256xf32>
      %get3A_350 = vector.shape_cast %get3A_349 : vector<1x1x1x256xf32> to vector<1x256xf32>
      %jit3A_351 = arith.constant 9.99999974E-5 : f32
      %jit3A_352 = arith.constant 0.999899983 : f32
      %max3A_353 = vector.broadcast %jit3A_351 : f32 to vector<1x256xf32>
      %max3A_354 = arith.maximumf %max3A_353, %get3A_350 : vector<1x256xf32>
      %min3A_355 = vector.broadcast %jit3A_352 : f32 to vector<1x256xf32>
      %min3A_356 = arith.minimumf %min3A_355, %max3A_354 : vector<1x256xf32>
      %sub3A_357 = arith.constant 1.000000e+00 : f32
      %sub3A_358 = vector.broadcast %sub3A_357 : f32 to vector<1x256xf32>
      %sub3A_359 = arith.subf %sub3A_358, %min3A_356 : vector<1x256xf32>
      %div3A_360 = arith.constant 1.000000e+00 : f32
      %div3A_361 = vector.broadcast %div3A_360 : f32 to vector<1x256xf32>
      %div3A_362 = arith.divf %div3A_361, %sub3A_359 : vector<1x256xf32>
      %log3A = math.log %div3A_362 : vector<1x256xf32>
      %convert_element_type3A_363 = arith.truncf %log3A : vector<1x256xf32> to vector<1x256xbf16>
      %convert_element_type3A_364 = arith.extf %convert_element_type3A_363 : vector<1x256xbf16> to vector<1x256xf32>
      %convert_element_type3A_365 = arith.truncf %min3A_356 : vector<1x256xf32> to vector<1x256xbf16>
      %convert_element_type3A_366 = arith.extf %convert_element_type3A_365 : vector<1x256xbf16> to vector<1x256xf32>
      %broadcast_in_dim3A_367 = vector.shape_cast %convert_element_type3A_364 : vector<1x256xf32> to vector<1x256xf32>
      %broadcast_in_dim3A_368 = vector.broadcast %broadcast_in_dim3A_367 : vector<1x256xf32> to vector<256x256xf32>
      %le3A_369 = arith.cmpi sle, %iota3A_3, %iota3A : vector<256x256xi32>
      %jit3A_370 = arith.constant 0.000000e+00 : f32
      %broadcast_in_dim3A_371 = vector.broadcast %jit3A_370 : f32 to vector<256x256xf32>
      %select_n3A_372 = arith.select %le3A_369, %broadcast_in_dim3A_368, %broadcast_in_dim3A_371 : vector<256x256xi1>, vector<256x256xf32>
      %reduce_sum3A = arith.constant dense<0.000000e+00> : vector<256xf32>
      %reduce_sum3A_373 = vector.multi_reduction <add>, %select_n3A_372, %reduce_sum3A [1] : vector<256x256xf32> to vector<256xf32>
      %broadcast_in_dim3A_374 = vector.shape_cast %reduce_sum3A_373 : vector<256xf32> to vector<256x1xf32>
      %convert_element_type3A_375 = arith.truncf %convert_element_type3A_364 : vector<1x256xf32> to vector<1x256xbf16>
      %dot_general3A_376 = arith.constant dense<0.000000e+00> : vector<1x256xf32>
      %dot_general3A_377 = tpu.matmul %convert_element_type3A_375, %convert_element_type3A_6, %dot_general3A_376 {dimension_numbers = #tpu.dot_dimension_numbers<[1], [0], [0], [1], [0, 0, 1, 1], [], []>, transpose_lhs_hint = false} : vector<1x256xbf16>, vector<256x256xbf16>, vector<1x256xf32> -> vector<1x256xf32>
      %broadcast_in_dim3A_378 = vector.shape_cast %dot_general3A_377 : vector<1x256xf32> to vector<1x256xf32>
      %broadcast_in_dim3A_379 = vector.broadcast %broadcast_in_dim3A_378 : vector<1x256xf32> to vector<256x256xf32>
      %sub3A_380 = vector.broadcast %broadcast_in_dim3A_374 : vector<256x1xf32> to vector<256x256xf32>
      %sub3A_381 = arith.subf %broadcast_in_dim3A_379, %sub3A_380 : vector<256x256xf32>
      %le3A_382 = arith.cmpi sle, %iota3A_3, %iota3A : vector<256x256xi32>
      %exp3A = math.exp %sub3A_381 : vector<256x256xf32>
      %jit3A_383 = arith.constant 0.000000e+00 : f32
      %broadcast_in_dim3A_384 = vector.broadcast %jit3A_383 : f32 to vector<256x256xf32>
      %select_n3A_385 = arith.select %le3A_382, %exp3A, %broadcast_in_dim3A_384 : vector<256x256xi1>, vector<256x256xf32>
      %broadcast_in_dim3A_386 = vector.shape_cast %convert_element_type3A_366 : vector<1x256xf32> to vector<1x256xf32>
      %broadcast_in_dim3A_387 = vector.broadcast %broadcast_in_dim3A_386 : vector<1x256xf32> to vector<256x256xf32>
      %mul3A_388 = arith.mulf %select_n3A_385, %broadcast_in_dim3A_387 : vector<256x256xf32>
      %get3A_389 = arith.constant 0 : index
      %get3A_390 = arith.constant 0 : index
      %get3A_391 = arith.constant 0 : index
      %get3A_392 = vector.load %arg4[%get3A_389, %get3A_390, %get3A_391] : memref<1x1024x1024xf32, #tpu.memory_space<vmem>>, vector<1x256x1024xf32>
      %get3A_393 = vector.shape_cast %get3A_392 : vector<1x256x1024xf32> to vector<256x1024xf32>
      %convert_element_type3A_394 = arith.truncf %get3A_393 : vector<256x1024xf32> to vector<256x1024xbf16>
      %convert_element_type3A_395 = arith.truncf %mul3A_388 : vector<256x256xf32> to vector<256x256xbf16>
      %dot_general3A_396 = arith.constant dense<0.000000e+00> : vector<256x1024xf32>
      %dot_general3A_397 = tpu.matmul %convert_element_type3A_395, %convert_element_type3A_394, %dot_general3A_396 {dimension_numbers = #tpu.dot_dimension_numbers<[1], [0], [0], [1], [0, 0, 1, 1], [], []>, transpose_lhs_hint = false} : vector<256x256xbf16>, vector<256x1024xbf16>, vector<256x1024xf32> -> vector<256x1024xf32>
      %neg3A = arith.constant 0.000000e+00 : f32
      %neg3A_398 = vector.broadcast %neg3A : f32 to vector<256x1xf32>
      %neg3A_399 = arith.subf %neg3A_398, %broadcast_in_dim3A_374 : vector<256x1xf32>
      %exp3A_400 = math.exp %neg3A_399 : vector<256x1xf32>
      %get3A_401 = arith.constant 0 : index
      %get3A_402 = arith.constant 0 : index
      %get3A_403 = vector.load %arg7[%get3A_401, %get3A_402] : memref<8x1024xf32, #tpu.memory_space<vmem>>, vector<1x1024xf32>
      %mul3A_404 = vector.broadcast %exp3A_400 : vector<256x1xf32> to vector<256x1024xf32>
      %mul3A_405 = vector.broadcast %get3A_403 : vector<1x1024xf32> to vector<256x1024xf32>
      %mul3A_406 = arith.mulf %mul3A_404, %mul3A_405 : vector<256x1024xf32>
      %add3A_407 = arith.addf %dot_general3A_397, %mul3A_406 : vector<256x1024xf32>
      %slice3A = vector.extract_strided_slice %add3A_407 {offsets = [255, 0], sizes = [1, 1024], strides = [1, 1]} : vector<256x1024xf32> to vector<1x1024xf32>
      %swap3A_408 = arith.constant 0 : index
      %swap3A_409 = arith.constant 0 : index
      %swap3A_410 = vector.load %arg7[%swap3A_408, %swap3A_409] : memref<8x1024xf32, #tpu.memory_space<vmem>>, vector<1x1024xf32>
      tpu.vector_store %arg7[%swap3A_408, %swap3A_409], %slice3A {strides = array<i32>} : memref<8x1024xf32, #tpu.memory_space<vmem>>, vector<1x1024xf32>,
      %convert_element_type3A_411 = arith.truncf %add3A_407 : vector<256x1024xf32> to vector<256x1024xbf16>
      %mul3A_412 = arith.constant 256 : i32
      %mul3A_413 = arith.muli %add3A_8, %mul3A_412 : i32
      %swap3A_414 = arith.index_cast %mul3A_413 : i32 to index
      %swap3A_415 = arith.constant 0 : index
      %swap3A_416 = vector.load %arg8[%swap3A_414, %swap3A_415] : memref<4096x1024xbf16, #tpu.memory_space<vmem>>, vector<256x1024xbf16>
      tpu.vector_store %arg8[%swap3A_414, %swap3A_415], %convert_element_type3A_411 {strides = array<i32>} : memref<4096x1024xbf16, #tpu.memory_space<vmem>>, vector<256x1024xbf16>,
    } else {
    }
    %not3A = arith.constant true
    %not3A_14 = arith.xori %lt3A, %not3A : i1
    %sub3A = arith.constant 2 : i32
    %sub3A_15 = arith.subi %add3A_8, %sub3A : i32
    %mul3A_16 = arith.constant 256 : i32
    %mul3A_17 = arith.muli %sub3A_15, %mul3A_16 : i32
    %lt3A_18 = arith.cmpi slt, %mul3A_17, %get3A_0 : i32
    %and3A = arith.andi %not3A_14, %lt3A_18 : i1
    %convert_element_type3A_19 = arith.extui %and3A : i1 to i32
    %cond3A_20 = arith.constant 0 : i32
    %cond3A_21 = arith.cmpi ne, %convert_element_type3A_19, %cond3A_20 : i32
    scf.if %cond3A_21 {
      %broadcast_in_dim3A_345 = arith.constant 0.000000e+00 : bf16
      %broadcast_in_dim3A_346 = vector.broadcast %broadcast_in_dim3A_345 : bf16 to vector<256x1024xbf16>
      %mul3A_347 = arith.constant 256 : i32
      %mul3A_348 = arith.muli %add3A_8, %mul3A_347 : i32
      %swap3A_349 = arith.index_cast %mul3A_348 : i32 to index
      %swap3A_350 = arith.constant 0 : index
      %swap3A_351 = vector.load %arg8[%swap3A_349, %swap3A_350] : memref<4096x1024xbf16, #tpu.memory_space<vmem>>, vector<256x1024xbf16>
      tpu.vector_store %arg8[%swap3A_349, %swap3A_350], %broadcast_in_dim3A_346 {strides = array<i32>} : memref<4096x1024xbf16, #tpu.memory_space<vmem>>, vector<256x1024xbf16>,
    } else {
    }
    %get3A_22 = arith.constant 0 : index
    %get3A_23 = arith.constant 0 : index
    %get3A_24 = arith.constant 0 : index
    %get3A_25 = arith.constant 0 : index
    %get3A_26 = vector.load %arg5[%get3A_22, %get3A_23, %get3A_24, %get3A_25] : memref<1x4x256x1xi32, #tpu.memory_space<vmem>>, vector<1x1x256x1xi32>
    %get3A_27 = vector.shape_cast %get3A_26 : vector<1x1x256x1xi32> to vector<256x1xi32>
    %get3A_28 = arith.constant 0 : index
    %get3A_29 = arith.constant 0 : index
    %get3A_30 = arith.constant 0 : index
    %get3A_31 = arith.constant 0 : index
    %get3A_32 = vector.load %arg5[%get3A_28, %get3A_29, %get3A_30, %get3A_31] : memref<1x4x256x1xi32, #tpu.memory_space<vmem>>, vector<1x1x1x1xi32>
    %get3A_33 = vector.extract %get3A_32[0, 0, 0, 0] : i32 from vector<1x1x1x1xi32>
    %jit3A = arith.constant 16 : i32
    %div3A = arith.divsi %get3A_33, %jit3A : i32
    %sign3A = arith.constant 0 : i32
    %sign3A_34 = arith.cmpi sgt, %get3A_33, %sign3A : i32
    %sign3A_35 = arith.extui %sign3A_34 : i1 to i32
    %sign3A_36 = arith.constant 0 : i32
    %sign3A_37 = arith.cmpi slt, %get3A_33, %sign3A_36 : i32
    %sign3A_38 = arith.extui %sign3A_37 : i1 to i32
    %sign3A_39 = arith.subi %sign3A_35, %sign3A_38 : i32
    %sign3A_40 = arith.constant 0 : i32
    %sign3A_41 = arith.cmpi sgt, %jit3A, %sign3A_40 : i32
    %sign3A_42 = arith.extui %sign3A_41 : i1 to i32
    %sign3A_43 = arith.constant 0 : i32
    %sign3A_44 = arith.cmpi slt, %jit3A, %sign3A_43 : i32
    %sign3A_45 = arith.extui %sign3A_44 : i1 to i32
    %sign3A_46 = arith.subi %sign3A_42, %sign3A_45 : i32
    %ne3A = arith.cmpi ne, %sign3A_39, %sign3A_46 : i32
    %rem3A = arith.remsi %get3A_33, %jit3A : i32
    %ne3A_47 = arith.constant 0 : i32
    %ne3A_48 = arith.cmpi ne, %rem3A, %ne3A_47 : i32
    %and3A_49 = arith.andi %ne3A, %ne3A_48 : i1
    %sub3A_50 = arith.constant 1 : i32
    %sub3A_51 = arith.subi %div3A, %sub3A_50 : i32
    %select_n3A = arith.select %and3A_49, %sub3A_51, %div3A : i32
    %mul3A_52 = arith.constant 16 : i32
    %mul3A_53 = arith.muli %select_n3A, %mul3A_52 : i32
    %add3A_54 = arith.constant 1 : i32
    %add3A_55 = arith.addi %add3A_8, %add3A_54 : i32
    %mul3A_56 = arith.constant 256 : i32
    %mul3A_57 = arith.muli %add3A_55, %mul3A_56 : i32
    %sub3A_58 = arith.constant 272 : i32
    %sub3A_59 = arith.subi %mul3A_57, %sub3A_58 : i32
    %min3A = arith.minsi %mul3A_53, %sub3A_59 : i32
    %max3A = arith.constant 0 : i32
    %max3A_60 = arith.maxsi %min3A, %max3A : i32
    %multiple_of3A = tpu.assume_multiple %max3A_60, 16 : i32
    %get3A_61 = arith.index_cast %multiple_of3A : i32 to index
    %get3A_62 = arith.constant 0 : index
    %get3A_63 = vector.load %arg8[%get3A_61, %get3A_62] : memref<4096x1024xbf16, #tpu.memory_space<vmem>>, vector<272x1024xbf16>
    %sub3A_64 = vector.broadcast %multiple_of3A : i32 to vector<256x1xi32>
    %sub3A_65 = arith.subi %get3A_27, %sub3A_64 : vector<256x1xi32>
    %broadcast_in_dim3A = vector.shape_cast %sub3A_65 : vector<256x1xi32> to vector<256x1xi32>
    %broadcast_in_dim3A_66 = vector.broadcast %broadcast_in_dim3A : vector<256x1xi32> to vector<256x272xi32>
    %iota3A_67 = tpu.iota {dimensions = array<i32: 1>} : vector<256x272xi32>
    %eq3A_68 = arith.cmpi eq, %broadcast_in_dim3A_66, %iota3A_67 : vector<256x272xi32>
    %convert_element_type3A_69 = arith.extui %eq3A_68 : vector<256x272xi1> to vector<256x272xi32>
    %convert_element_type3A_70 = arith.sitofp %convert_element_type3A_69 : vector<256x272xi32> to vector<256x272xf32>
    %convert_element_type3A_71 = arith.truncf %convert_element_type3A_70 : vector<256x272xf32> to vector<256x272xbf16>
    %dot_general3A = arith.constant dense<0.000000e+00> : vector<256x1024xf32>
    %dot_general3A_72 = tpu.matmul %convert_element_type3A_71, %get3A_63, %dot_general3A {dimension_numbers = #tpu.dot_dimension_numbers<[1], [0], [0], [1], [0, 0, 1, 1], [], []>, transpose_lhs_hint = false} : vector<256x272xbf16>, vector<272x1024xbf16>, vector<256x1024xf32> -> vector<256x1024xf32>
    %swap3A = arith.constant 0 : index
    %swap3A_73 = arith.constant 0 : index
    %swap3A_74 = arith.constant 0 : index
    %swap3A_75 = vector.load %arg6[%swap3A, %swap3A_73, %swap3A_74] : memref<1x1024x1024xf32, #tpu.memory_space<vmem>>, vector<1x256x1024xf32>
    %swap3A_76 = vector.shape_cast %swap3A_75 : vector<1x256x1024xf32> to vector<256x1024xf32>
    %swap3A_77 = vector.shape_cast %dot_general3A_72 : vector<256x1024xf32> to vector<1x256x1024xf32>
    tpu.vector_store %arg6[%swap3A, %swap3A_73, %swap3A_74], %swap3A_77 {strides = array<i32>} : memref<1x1024x1024xf32, #tpu.memory_space<vmem>>, vector<1x256x1024xf32>,
    %mul3A_78 = arith.constant 4 : i32
    %mul3A_79 = arith.muli %arg1, %mul3A_78 : i32
    %add3A_80 = arith.constant 1 : i32
    %add3A_81 = arith.addi %mul3A_79, %add3A_80 : i32
    %mul3A_82 = arith.constant 256 : i32
    %mul3A_83 = arith.muli %add3A_81, %mul3A_82 : i32
    %lt3A_84 = arith.cmpi slt, %mul3A_83, %get3A_0 : i32
    %convert_element_type3A_85 = arith.extui %lt3A_84 : i1 to i32
    %cond3A_86 = arith.constant 0 : i32
    %cond3A_87 = arith.cmpi ne, %convert_element_type3A_85, %cond3A_86 : i32
    scf.if %cond3A_87 {
      %get3A_345 = arith.constant 0 : index
      %get3A_346 = arith.constant 1 : index
      %get3A_347 = arith.constant 0 : index
      %get3A_348 = arith.constant 0 : index
      %get3A_349 = vector.load %arg3[%get3A_345, %get3A_346, %get3A_347, %get3A_348] : memref<1x4x1x256xf32, #tpu.memory_space<vmem>>, vector<1x1x1x256xf32>
      %get3A_350 = vector.shape_cast %get3A_349 : vector<1x1x1x256xf32> to vector<1x256xf32>
      %jit3A_351 = arith.constant 9.99999974E-5 : f32
      %jit3A_352 = arith.constant 0.999899983 : f32
      %max3A_353 = vector.broadcast %jit3A_351 : f32 to vector<1x256xf32>
      %max3A_354 = arith.maximumf %max3A_353, %get3A_350 : vector<1x256xf32>
      %min3A_355 = vector.broadcast %jit3A_352 : f32 to vector<1x256xf32>
      %min3A_356 = arith.minimumf %min3A_355, %max3A_354 : vector<1x256xf32>
      %sub3A_357 = arith.constant 1.000000e+00 : f32
      %sub3A_358 = vector.broadcast %sub3A_357 : f32 to vector<1x256xf32>
      %sub3A_359 = arith.subf %sub3A_358, %min3A_356 : vector<1x256xf32>
      %div3A_360 = arith.constant 1.000000e+00 : f32
      %div3A_361 = vector.broadcast %div3A_360 : f32 to vector<1x256xf32>
      %div3A_362 = arith.divf %div3A_361, %sub3A_359 : vector<1x256xf32>
      %log3A = math.log %div3A_362 : vector<1x256xf32>
      %convert_element_type3A_363 = arith.truncf %log3A : vector<1x256xf32> to vector<1x256xbf16>
      %convert_element_type3A_364 = arith.extf %convert_element_type3A_363 : vector<1x256xbf16> to vector<1x256xf32>
      %convert_element_type3A_365 = arith.truncf %min3A_356 : vector<1x256xf32> to vector<1x256xbf16>
      %convert_element_type3A_366 = arith.extf %convert_element_type3A_365 : vector<1x256xbf16> to vector<1x256xf32>
      %broadcast_in_dim3A_367 = vector.shape_cast %convert_element_type3A_364 : vector<1x256xf32> to vector<1x256xf32>
      %broadcast_in_dim3A_368 = vector.broadcast %broadcast_in_dim3A_367 : vector<1x256xf32> to vector<256x256xf32>
      %le3A_369 = arith.cmpi sle, %iota3A_3, %iota3A : vector<256x256xi32>
      %jit3A_370 = arith.constant 0.000000e+00 : f32
      %broadcast_in_dim3A_371 = vector.broadcast %jit3A_370 : f32 to vector<256x256xf32>
      %select_n3A_372 = arith.select %le3A_369, %broadcast_in_dim3A_368, %broadcast_in_dim3A_371 : vector<256x256xi1>, vector<256x256xf32>
      %reduce_sum3A = arith.constant dense<0.000000e+00> : vector<256xf32>
      %reduce_sum3A_373 = vector.multi_reduction <add>, %select_n3A_372, %reduce_sum3A [1] : vector<256x256xf32> to vector<256xf32>
      %broadcast_in_dim3A_374 = vector.shape_cast %reduce_sum3A_373 : vector<256xf32> to vector<256x1xf32>
      %convert_element_type3A_375 = arith.truncf %convert_element_type3A_364 : vector<1x256xf32> to vector<1x256xbf16>
      %dot_general3A_376 = arith.constant dense<0.000000e+00> : vector<1x256xf32>
      %dot_general3A_377 = tpu.matmul %convert_element_type3A_375, %convert_element_type3A_6, %dot_general3A_376 {dimension_numbers = #tpu.dot_dimension_numbers<[1], [0], [0], [1], [0, 0, 1, 1], [], []>, transpose_lhs_hint = false} : vector<1x256xbf16>, vector<256x256xbf16>, vector<1x256xf32> -> vector<1x256xf32>
      %broadcast_in_dim3A_378 = vector.shape_cast %dot_general3A_377 : vector<1x256xf32> to vector<1x256xf32>
      %broadcast_in_dim3A_379 = vector.broadcast %broadcast_in_dim3A_378 : vector<1x256xf32> to vector<256x256xf32>
      %sub3A_380 = vector.broadcast %broadcast_in_dim3A_374 : vector<256x1xf32> to vector<256x256xf32>
      %sub3A_381 = arith.subf %broadcast_in_dim3A_379, %sub3A_380 : vector<256x256xf32>
      %le3A_382 = arith.cmpi sle, %iota3A_3, %iota3A : vector<256x256xi32>
      %exp3A = math.exp %sub3A_381 : vector<256x256xf32>
      %jit3A_383 = arith.constant 0.000000e+00 : f32
      %broadcast_in_dim3A_384 = vector.broadcast %jit3A_383 : f32 to vector<256x256xf32>
      %select_n3A_385 = arith.select %le3A_382, %exp3A, %broadcast_in_dim3A_384 : vector<256x256xi1>, vector<256x256xf32>
      %broadcast_in_dim3A_386 = vector.shape_cast %convert_element_type3A_366 : vector<1x256xf32> to vector<1x256xf32>
      %broadcast_in_dim3A_387 = vector.broadcast %broadcast_in_dim3A_386 : vector<1x256xf32> to vector<256x256xf32>
      %mul3A_388 = arith.mulf %select_n3A_385, %broadcast_in_dim3A_387 : vector<256x256xf32>
      %get3A_389 = arith.constant 0 : index
      %get3A_390 = arith.constant 256 : index
      %get3A_391 = arith.constant 0 : index
      %get3A_392 = vector.load %arg4[%get3A_389, %get3A_390, %get3A_391] : memref<1x1024x1024xf32, #tpu.memory_space<vmem>>, vector<1x256x1024xf32>
      %get3A_393 = vector.shape_cast %get3A_392 : vector<1x256x1024xf32> to vector<256x1024xf32>
      %convert_element_type3A_394 = arith.truncf %get3A_393 : vector<256x1024xf32> to vector<256x1024xbf16>
      %convert_element_type3A_395 = arith.truncf %mul3A_388 : vector<256x256xf32> to vector<256x256xbf16>
      %dot_general3A_396 = arith.constant dense<0.000000e+00> : vector<256x1024xf32>
      %dot_general3A_397 = tpu.matmul %convert_element_type3A_395, %convert_element_type3A_394, %dot_general3A_396 {dimension_numbers = #tpu.dot_dimension_numbers<[1], [0], [0], [1], [0, 0, 1, 1], [], []>, transpose_lhs_hint = false} : vector<256x256xbf16>, vector<256x1024xbf16>, vector<256x1024xf32> -> vector<256x1024xf32>
      %neg3A = arith.constant 0.000000e+00 : f32
      %neg3A_398 = vector.broadcast %neg3A : f32 to vector<256x1xf32>
      %neg3A_399 = arith.subf %neg3A_398, %broadcast_in_dim3A_374 : vector<256x1xf32>
      %exp3A_400 = math.exp %neg3A_399 : vector<256x1xf32>
      %get3A_401 = arith.constant 0 : index
      %get3A_402 = arith.constant 0 : index
      %get3A_403 = vector.load %arg7[%get3A_401, %get3A_402] : memref<8x1024xf32, #tpu.memory_space<vmem>>, vector<1x1024xf32>
      %mul3A_404 = vector.broadcast %exp3A_400 : vector<256x1xf32> to vector<256x1024xf32>
      %mul3A_405 = vector.broadcast %get3A_403 : vector<1x1024xf32> to vector<256x1024xf32>
      %mul3A_406 = arith.mulf %mul3A_404, %mul3A_405 : vector<256x1024xf32>
      %add3A_407 = arith.addf %dot_general3A_397, %mul3A_406 : vector<256x1024xf32>
      %slice3A = vector.extract_strided_slice %add3A_407 {offsets = [255, 0], sizes = [1, 1024], strides = [1, 1]} : vector<256x1024xf32> to vector<1x1024xf32>
      %swap3A_408 = arith.constant 0 : index
      %swap3A_409 = arith.constant 0 : index
      %swap3A_410 = vector.load %arg7[%swap3A_408, %swap3A_409] : memref<8x1024xf32, #tpu.memory_space<vmem>>, vector<1x1024xf32>
      tpu.vector_store %arg7[%swap3A_408, %swap3A_409], %slice3A {strides = array<i32>} : memref<8x1024xf32, #tpu.memory_space<vmem>>, vector<1x1024xf32>,
      %convert_element_type3A_411 = arith.truncf %add3A_407 : vector<256x1024xf32> to vector<256x1024xbf16>
      %mul3A_412 = arith.constant 256 : i32
      %mul3A_413 = arith.muli %add3A_81, %mul3A_412 : i32
      %swap3A_414 = arith.index_cast %mul3A_413 : i32 to index
      %swap3A_415 = arith.constant 0 : index
      %swap3A_416 = vector.load %arg8[%swap3A_414, %swap3A_415] : memref<4096x1024xbf16, #tpu.memory_space<vmem>>, vector<256x1024xbf16>
      tpu.vector_store %arg8[%swap3A_414, %swap3A_415], %convert_element_type3A_411 {strides = array<i32>} : memref<4096x1024xbf16, #tpu.memory_space<vmem>>, vector<256x1024xbf16>,
    } else {
    }
    %not3A_88 = arith.constant true
    %not3A_89 = arith.xori %lt3A_84, %not3A_88 : i1
    %sub3A_90 = arith.constant 2 : i32
    %sub3A_91 = arith.subi %add3A_81, %sub3A_90 : i32
    %mul3A_92 = arith.constant 256 : i32
    %mul3A_93 = arith.muli %sub3A_91, %mul3A_92 : i32
    %lt3A_94 = arith.cmpi slt, %mul3A_93, %get3A_0 : i32
    %and3A_95 = arith.andi %not3A_89, %lt3A_94 : i1
    %convert_element_type3A_96 = arith.extui %and3A_95 : i1 to i32
    %cond3A_97 = arith.constant 0 : i32
    %cond3A_98 = arith.cmpi ne, %convert_element_type3A_96, %cond3A_97 : i32
    scf.if %cond3A_98 {
      %broadcast_in_dim3A_345 = arith.constant 0.000000e+00 : bf16
      %broadcast_in_dim3A_346 = vector.broadcast %broadcast_in_dim3A_345 : bf16 to vector<256x1024xbf16>
      %mul3A_347 = arith.constant 256 : i32
      %mul3A_348 = arith.muli %add3A_81, %mul3A_347 : i32
      %swap3A_349 = arith.index_cast %mul3A_348 : i32 to index
      %swap3A_350 = arith.constant 0 : index
      %swap3A_351 = vector.load %arg8[%swap3A_349, %swap3A_350] : memref<4096x1024xbf16, #tpu.memory_space<vmem>>, vector<256x1024xbf16>
      tpu.vector_store %arg8[%swap3A_349, %swap3A_350], %broadcast_in_dim3A_346 {strides = array<i32>} : memref<4096x1024xbf16, #tpu.memory_space<vmem>>, vector<256x1024xbf16>,
    } else {
    }
    %get3A_99 = arith.constant 0 : index
    %get3A_100 = arith.constant 1 : index
    %get3A_101 = arith.constant 0 : index
    %get3A_102 = arith.constant 0 : index
    %get3A_103 = vector.load %arg5[%get3A_99, %get3A_100, %get3A_101, %get3A_102] : memref<1x4x256x1xi32, #tpu.memory_space<vmem>>, vector<1x1x256x1xi32>
    %get3A_104 = vector.shape_cast %get3A_103 : vector<1x1x256x1xi32> to vector<256x1xi32>
    %get3A_105 = arith.constant 0 : index
    %get3A_106 = arith.constant 1 : index
    %get3A_107 = arith.constant 0 : index
    %get3A_108 = arith.constant 0 : index
    %get3A_109 = vector.load %arg5[%get3A_105, %get3A_106, %get3A_107, %get3A_108] : memref<1x4x256x1xi32, #tpu.memory_space<vmem>>, vector<1x1x1x1xi32>
    %get3A_110 = vector.extract %get3A_109[0, 0, 0, 0] : i32 from vector<1x1x1x1xi32>
    %jit3A_111 = arith.constant 16 : i32
    %div3A_112 = arith.divsi %get3A_110, %jit3A_111 : i32
    %sign3A_113 = arith.constant 0 : i32
    %sign3A_114 = arith.cmpi sgt, %get3A_110, %sign3A_113 : i32
    %sign3A_115 = arith.extui %sign3A_114 : i1 to i32
    %sign3A_116 = arith.constant 0 : i32
    %sign3A_117 = arith.cmpi slt, %get3A_110, %sign3A_116 : i32
    %sign3A_118 = arith.extui %sign3A_117 : i1 to i32
    %sign3A_119 = arith.subi %sign3A_115, %sign3A_118 : i32
    %sign3A_120 = arith.constant 0 : i32
    %sign3A_121 = arith.cmpi sgt, %jit3A_111, %sign3A_120 : i32
    %sign3A_122 = arith.extui %sign3A_121 : i1 to i32
    %sign3A_123 = arith.constant 0 : i32
    %sign3A_124 = arith.cmpi slt, %jit3A_111, %sign3A_123 : i32
    %sign3A_125 = arith.extui %sign3A_124 : i1 to i32
    %sign3A_126 = arith.subi %sign3A_122, %sign3A_125 : i32
    %ne3A_127 = arith.cmpi ne, %sign3A_119, %sign3A_126 : i32
    %rem3A_128 = arith.remsi %get3A_110, %jit3A_111 : i32
    %ne3A_129 = arith.constant 0 : i32
    %ne3A_130 = arith.cmpi ne, %rem3A_128, %ne3A_129 : i32
    %and3A_131 = arith.andi %ne3A_127, %ne3A_130 : i1
    %sub3A_132 = arith.constant 1 : i32
    %sub3A_133 = arith.subi %div3A_112, %sub3A_132 : i32
    %select_n3A_134 = arith.select %and3A_131, %sub3A_133, %div3A_112 : i32
    %mul3A_135 = arith.constant 16 : i32
    %mul3A_136 = arith.muli %select_n3A_134, %mul3A_135 : i32
    %add3A_137 = arith.constant 1 : i32
    %add3A_138 = arith.addi %add3A_81, %add3A_137 : i32
    %mul3A_139 = arith.constant 256 : i32
    %mul3A_140 = arith.muli %add3A_138, %mul3A_139 : i32
    %sub3A_141 = arith.constant 272 : i32
    %sub3A_142 = arith.subi %mul3A_140, %sub3A_141 : i32
    %min3A_143 = arith.minsi %mul3A_136, %sub3A_142 : i32
    %max3A_144 = arith.constant 0 : i32
    %max3A_145 = arith.maxsi %min3A_143, %max3A_144 : i32
    %multiple_of3A_146 = tpu.assume_multiple %max3A_145, 16 : i32
    %get3A_147 = arith.index_cast %multiple_of3A_146 : i32 to index
    %get3A_148 = arith.constant 0 : index
    %get3A_149 = vector.load %arg8[%get3A_147, %get3A_148] : memref<4096x1024xbf16, #tpu.memory_space<vmem>>, vector<272x1024xbf16>
    %sub3A_150 = vector.broadcast %multiple_of3A_146 : i32 to vector<256x1xi32>
    %sub3A_151 = arith.subi %get3A_104, %sub3A_150 : vector<256x1xi32>
    %broadcast_in_dim3A_152 = vector.shape_cast %sub3A_151 : vector<256x1xi32> to vector<256x1xi32>
    %broadcast_in_dim3A_153 = vector.broadcast %broadcast_in_dim3A_152 : vector<256x1xi32> to vector<256x272xi32>
    %iota3A_154 = tpu.iota {dimensions = array<i32: 1>} : vector<256x272xi32>
    %eq3A_155 = arith.cmpi eq, %broadcast_in_dim3A_153, %iota3A_154 : vector<256x272xi32>
    %convert_element_type3A_156 = arith.extui %eq3A_155 : vector<256x272xi1> to vector<256x272xi32>
    %convert_element_type3A_157 = arith.sitofp %convert_element_type3A_156 : vector<256x272xi32> to vector<256x272xf32>
    %convert_element_type3A_158 = arith.truncf %convert_element_type3A_157 : vector<256x272xf32> to vector<256x272xbf16>
    %dot_general3A_159 = arith.constant dense<0.000000e+00> : vector<256x1024xf32>
    %dot_general3A_160 = tpu.matmul %convert_element_type3A_158, %get3A_149, %dot_general3A_159 {dimension_numbers = #tpu.dot_dimension_numbers<[1], [0], [0], [1], [0, 0, 1, 1], [], []>, transpose_lhs_hint = false} : vector<256x272xbf16>, vector<272x1024xbf16>, vector<256x1024xf32> -> vector<256x1024xf32>
    %swap3A_161 = arith.constant 0 : index
    %swap3A_162 = arith.constant 256 : index
    %swap3A_163 = arith.constant 0 : index
    %swap3A_164 = vector.load %arg6[%swap3A_161, %swap3A_162, %swap3A_163] : memref<1x1024x1024xf32, #tpu.memory_space<vmem>>, vector<1x256x1024xf32>
    %swap3A_165 = vector.shape_cast %swap3A_164 : vector<1x256x1024xf32> to vector<256x1024xf32>
    %swap3A_166 = vector.shape_cast %dot_general3A_160 : vector<256x1024xf32> to vector<1x256x1024xf32>
    tpu.vector_store %arg6[%swap3A_161, %swap3A_162, %swap3A_163], %swap3A_166 {strides = array<i32>} : memref<1x1024x1024xf32, #tpu.memory_space<vmem>>, vector<1x256x1024xf32>,
    %mul3A_167 = arith.constant 4 : i32
    %mul3A_168 = arith.muli %arg1, %mul3A_167 : i32
    %add3A_169 = arith.constant 2 : i32
    %add3A_170 = arith.addi %mul3A_168, %add3A_169 : i32
    %mul3A_171 = arith.constant 256 : i32
    %mul3A_172 = arith.muli %add3A_170, %mul3A_171 : i32
    %lt3A_173 = arith.cmpi slt, %mul3A_172, %get3A_0 : i32
    %convert_element_type3A_174 = arith.extui %lt3A_173 : i1 to i32
    %cond3A_175 = arith.constant 0 : i32
    %cond3A_176 = arith.cmpi ne, %convert_element_type3A_174, %cond3A_175 : i32
    scf.if %cond3A_176 {
      %get3A_345 = arith.constant 0 : index
      %get3A_346 = arith.constant 2 : index
      %get3A_347 = arith.constant 0 : index
      %get3A_348 = arith.constant 0 : index
      %get3A_349 = vector.load %arg3[%get3A_345, %get3A_346, %get3A_347, %get3A_348] : memref<1x4x1x256xf32, #tpu.memory_space<vmem>>, vector<1x1x1x256xf32>
      %get3A_350 = vector.shape_cast %get3A_349 : vector<1x1x1x256xf32> to vector<1x256xf32>
      %jit3A_351 = arith.constant 9.99999974E-5 : f32
      %jit3A_352 = arith.constant 0.999899983 : f32
      %max3A_353 = vector.broadcast %jit3A_351 : f32 to vector<1x256xf32>
      %max3A_354 = arith.maximumf %max3A_353, %get3A_350 : vector<1x256xf32>
      %min3A_355 = vector.broadcast %jit3A_352 : f32 to vector<1x256xf32>
      %min3A_356 = arith.minimumf %min3A_355, %max3A_354 : vector<1x256xf32>
      %sub3A_357 = arith.constant 1.000000e+00 : f32
      %sub3A_358 = vector.broadcast %sub3A_357 : f32 to vector<1x256xf32>
      %sub3A_359 = arith.subf %sub3A_358, %min3A_356 : vector<1x256xf32>
      %div3A_360 = arith.constant 1.000000e+00 : f32
      %div3A_361 = vector.broadcast %div3A_360 : f32 to vector<1x256xf32>
      %div3A_362 = arith.divf %div3A_361, %sub3A_359 : vector<1x256xf32>
      %log3A = math.log %div3A_362 : vector<1x256xf32>
      %convert_element_type3A_363 = arith.truncf %log3A : vector<1x256xf32> to vector<1x256xbf16>
      %convert_element_type3A_364 = arith.extf %convert_element_type3A_363 : vector<1x256xbf16> to vector<1x256xf32>
      %convert_element_type3A_365 = arith.truncf %min3A_356 : vector<1x256xf32> to vector<1x256xbf16>
      %convert_element_type3A_366 = arith.extf %convert_element_type3A_365 : vector<1x256xbf16> to vector<1x256xf32>
      %broadcast_in_dim3A_367 = vector.shape_cast %convert_element_type3A_364 : vector<1x256xf32> to vector<1x256xf32>
      %broadcast_in_dim3A_368 = vector.broadcast %broadcast_in_dim3A_367 : vector<1x256xf32> to vector<256x256xf32>
      %le3A_369 = arith.cmpi sle, %iota3A_3, %iota3A : vector<256x256xi32>
      %jit3A_370 = arith.constant 0.000000e+00 : f32
      %broadcast_in_dim3A_371 = vector.broadcast %jit3A_370 : f32 to vector<256x256xf32>
      %select_n3A_372 = arith.select %le3A_369, %broadcast_in_dim3A_368, %broadcast_in_dim3A_371 : vector<256x256xi1>, vector<256x256xf32>
      %reduce_sum3A = arith.constant dense<0.000000e+00> : vector<256xf32>
      %reduce_sum3A_373 = vector.multi_reduction <add>, %select_n3A_372, %reduce_sum3A [1] : vector<256x256xf32> to vector<256xf32>
      %broadcast_in_dim3A_374 = vector.shape_cast %reduce_sum3A_373 : vector<256xf32> to vector<256x1xf32>
      %convert_element_type3A_375 = arith.truncf %convert_element_type3A_364 : vector<1x256xf32> to vector<1x256xbf16>
      %dot_general3A_376 = arith.constant dense<0.000000e+00> : vector<1x256xf32>
      %dot_general3A_377 = tpu.matmul %convert_element_type3A_375, %convert_element_type3A_6, %dot_general3A_376 {dimension_numbers = #tpu.dot_dimension_numbers<[1], [0], [0], [1], [0, 0, 1, 1], [], []>, transpose_lhs_hint = false} : vector<1x256xbf16>, vector<256x256xbf16>, vector<1x256xf32> -> vector<1x256xf32>
      %broadcast_in_dim3A_378 = vector.shape_cast %dot_general3A_377 : vector<1x256xf32> to vector<1x256xf32>
      %broadcast_in_dim3A_379 = vector.broadcast %broadcast_in_dim3A_378 : vector<1x256xf32> to vector<256x256xf32>
      %sub3A_380 = vector.broadcast %broadcast_in_dim3A_374 : vector<256x1xf32> to vector<256x256xf32>
      %sub3A_381 = arith.subf %broadcast_in_dim3A_379, %sub3A_380 : vector<256x256xf32>
      %le3A_382 = arith.cmpi sle, %iota3A_3, %iota3A : vector<256x256xi32>
      %exp3A = math.exp %sub3A_381 : vector<256x256xf32>
      %jit3A_383 = arith.constant 0.000000e+00 : f32
      %broadcast_in_dim3A_384 = vector.broadcast %jit3A_383 : f32 to vector<256x256xf32>
      %select_n3A_385 = arith.select %le3A_382, %exp3A, %broadcast_in_dim3A_384 : vector<256x256xi1>, vector<256x256xf32>
      %broadcast_in_dim3A_386 = vector.shape_cast %convert_element_type3A_366 : vector<1x256xf32> to vector<1x256xf32>
      %broadcast_in_dim3A_387 = vector.broadcast %broadcast_in_dim3A_386 : vector<1x256xf32> to vector<256x256xf32>
      %mul3A_388 = arith.mulf %select_n3A_385, %broadcast_in_dim3A_387 : vector<256x256xf32>
      %get3A_389 = arith.constant 0 : index
      %get3A_390 = arith.constant 512 : index
      %get3A_391 = arith.constant 0 : index
      %get3A_392 = vector.load %arg4[%get3A_389, %get3A_390, %get3A_391] : memref<1x1024x1024xf32, #tpu.memory_space<vmem>>, vector<1x256x1024xf32>
      %get3A_393 = vector.shape_cast %get3A_392 : vector<1x256x1024xf32> to vector<256x1024xf32>
      %convert_element_type3A_394 = arith.truncf %get3A_393 : vector<256x1024xf32> to vector<256x1024xbf16>
      %convert_element_type3A_395 = arith.truncf %mul3A_388 : vector<256x256xf32> to vector<256x256xbf16>
      %dot_general3A_396 = arith.constant dense<0.000000e+00> : vector<256x1024xf32>
      %dot_general3A_397 = tpu.matmul %convert_element_type3A_395, %convert_element_type3A_394, %dot_general3A_396 {dimension_numbers = #tpu.dot_dimension_numbers<[1], [0], [0], [1], [0, 0, 1, 1], [], []>, transpose_lhs_hint = false} : vector<256x256xbf16>, vector<256x1024xbf16>, vector<256x1024xf32> -> vector<256x1024xf32>
      %neg3A = arith.constant 0.000000e+00 : f32
      %neg3A_398 = vector.broadcast %neg3A : f32 to vector<256x1xf32>
      %neg3A_399 = arith.subf %neg3A_398, %broadcast_in_dim3A_374 : vector<256x1xf32>
      %exp3A_400 = math.exp %neg3A_399 : vector<256x1xf32>
      %get3A_401 = arith.constant 0 : index
      %get3A_402 = arith.constant 0 : index
      %get3A_403 = vector.load %arg7[%get3A_401, %get3A_402] : memref<8x1024xf32, #tpu.memory_space<vmem>>, vector<1x1024xf32>
      %mul3A_404 = vector.broadcast %exp3A_400 : vector<256x1xf32> to vector<256x1024xf32>
      %mul3A_405 = vector.broadcast %get3A_403 : vector<1x1024xf32> to vector<256x1024xf32>
      %mul3A_406 = arith.mulf %mul3A_404, %mul3A_405 : vector<256x1024xf32>
      %add3A_407 = arith.addf %dot_general3A_397, %mul3A_406 : vector<256x1024xf32>
      %slice3A = vector.extract_strided_slice %add3A_407 {offsets = [255, 0], sizes = [1, 1024], strides = [1, 1]} : vector<256x1024xf32> to vector<1x1024xf32>
      %swap3A_408 = arith.constant 0 : index
      %swap3A_409 = arith.constant 0 : index
      %swap3A_410 = vector.load %arg7[%swap3A_408, %swap3A_409] : memref<8x1024xf32, #tpu.memory_space<vmem>>, vector<1x1024xf32>
      tpu.vector_store %arg7[%swap3A_408, %swap3A_409], %slice3A {strides = array<i32>} : memref<8x1024xf32, #tpu.memory_space<vmem>>, vector<1x1024xf32>,
      %convert_element_type3A_411 = arith.truncf %add3A_407 : vector<256x1024xf32> to vector<256x1024xbf16>
      %mul3A_412 = arith.constant 256 : i32
      %mul3A_413 = arith.muli %add3A_170, %mul3A_412 : i32
      %swap3A_414 = arith.index_cast %mul3A_413 : i32 to index
      %swap3A_415 = arith.constant 0 : index
      %swap3A_416 = vector.load %arg8[%swap3A_414, %swap3A_415] : memref<4096x1024xbf16, #tpu.memory_space<vmem>>, vector<256x1024xbf16>
      tpu.vector_store %arg8[%swap3A_414, %swap3A_415], %convert_element_type3A_411 {strides = array<i32>} : memref<4096x1024xbf16, #tpu.memory_space<vmem>>, vector<256x1024xbf16>,
    } else {
    }
    %not3A_177 = arith.constant true
    %not3A_178 = arith.xori %lt3A_173, %not3A_177 : i1
    %sub3A_179 = arith.constant 2 : i32
    %sub3A_180 = arith.subi %add3A_170, %sub3A_179 : i32
    %mul3A_181 = arith.constant 256 : i32
    %mul3A_182 = arith.muli %sub3A_180, %mul3A_181 : i32
    %lt3A_183 = arith.cmpi slt, %mul3A_182, %get3A_0 : i32
    %and3A_184 = arith.andi %not3A_178, %lt3A_183 : i1
    %convert_element_type3A_185 = arith.extui %and3A_184 : i1 to i32
    %cond3A_186 = arith.constant 0 : i32
    %cond3A_187 = arith.cmpi ne, %convert_element_type3A_185, %cond3A_186 : i32
    scf.if %cond3A_187 {
      %broadcast_in_dim3A_345 = arith.constant 0.000000e+00 : bf16
      %broadcast_in_dim3A_346 = vector.broadcast %broadcast_in_dim3A_345 : bf16 to vector<256x1024xbf16>
      %mul3A_347 = arith.constant 256 : i32
      %mul3A_348 = arith.muli %add3A_170, %mul3A_347 : i32
      %swap3A_349 = arith.index_cast %mul3A_348 : i32 to index
      %swap3A_350 = arith.constant 0 : index
      %swap3A_351 = vector.load %arg8[%swap3A_349, %swap3A_350] : memref<4096x1024xbf16, #tpu.memory_space<vmem>>, vector<256x1024xbf16>
      tpu.vector_store %arg8[%swap3A_349, %swap3A_350], %broadcast_in_dim3A_346 {strides = array<i32>} : memref<4096x1024xbf16, #tpu.memory_space<vmem>>, vector<256x1024xbf16>,
    } else {
    }
    %get3A_188 = arith.constant 0 : index
    %get3A_189 = arith.constant 2 : index
    %get3A_190 = arith.constant 0 : index
    %get3A_191 = arith.constant 0 : index
    %get3A_192 = vector.load %arg5[%get3A_188, %get3A_189, %get3A_190, %get3A_191] : memref<1x4x256x1xi32, #tpu.memory_space<vmem>>, vector<1x1x256x1xi32>
    %get3A_193 = vector.shape_cast %get3A_192 : vector<1x1x256x1xi32> to vector<256x1xi32>
    %get3A_194 = arith.constant 0 : index
    %get3A_195 = arith.constant 2 : index
    %get3A_196 = arith.constant 0 : index
    %get3A_197 = arith.constant 0 : index
    %get3A_198 = vector.load %arg5[%get3A_194, %get3A_195, %get3A_196, %get3A_197] : memref<1x4x256x1xi32, #tpu.memory_space<vmem>>, vector<1x1x1x1xi32>
    %get3A_199 = vector.extract %get3A_198[0, 0, 0, 0] : i32 from vector<1x1x1x1xi32>
    %jit3A_200 = arith.constant 16 : i32
    %div3A_201 = arith.divsi %get3A_199, %jit3A_200 : i32
    %sign3A_202 = arith.constant 0 : i32
    %sign3A_203 = arith.cmpi sgt, %get3A_199, %sign3A_202 : i32
    %sign3A_204 = arith.extui %sign3A_203 : i1 to i32
    %sign3A_205 = arith.constant 0 : i32
    %sign3A_206 = arith.cmpi slt, %get3A_199, %sign3A_205 : i32
    %sign3A_207 = arith.extui %sign3A_206 : i1 to i32
    %sign3A_208 = arith.subi %sign3A_204, %sign3A_207 : i32
    %sign3A_209 = arith.constant 0 : i32
    %sign3A_210 = arith.cmpi sgt, %jit3A_200, %sign3A_209 : i32
    %sign3A_211 = arith.extui %sign3A_210 : i1 to i32
    %sign3A_212 = arith.constant 0 : i32
    %sign3A_213 = arith.cmpi slt, %jit3A_200, %sign3A_212 : i32
    %sign3A_214 = arith.extui %sign3A_213 : i1 to i32
    %sign3A_215 = arith.subi %sign3A_211, %sign3A_214 : i32
    %ne3A_216 = arith.cmpi ne, %sign3A_208, %sign3A_215 : i32
    %rem3A_217 = arith.remsi %get3A_199, %jit3A_200 : i32
    %ne3A_218 = arith.constant 0 : i32
    %ne3A_219 = arith.cmpi ne, %rem3A_217, %ne3A_218 : i32
    %and3A_220 = arith.andi %ne3A_216, %ne3A_219 : i1
    %sub3A_221 = arith.constant 1 : i32
    %sub3A_222 = arith.subi %div3A_201, %sub3A_221 : i32
    %select_n3A_223 = arith.select %and3A_220, %sub3A_222, %div3A_201 : i32
    %mul3A_224 = arith.constant 16 : i32
    %mul3A_225 = arith.muli %select_n3A_223, %mul3A_224 : i32
    %add3A_226 = arith.constant 1 : i32
    %add3A_227 = arith.addi %add3A_170, %add3A_226 : i32
    %mul3A_228 = arith.constant 256 : i32
    %mul3A_229 = arith.muli %add3A_227, %mul3A_228 : i32
    %sub3A_230 = arith.constant 272 : i32
    %sub3A_231 = arith.subi %mul3A_229, %sub3A_230 : i32
    %min3A_232 = arith.minsi %mul3A_225, %sub3A_231 : i32
    %max3A_233 = arith.constant 0 : i32
    %max3A_234 = arith.maxsi %min3A_232, %max3A_233 : i32
    %multiple_of3A_235 = tpu.assume_multiple %max3A_234, 16 : i32
    %get3A_236 = arith.index_cast %multiple_of3A_235 : i32 to index
    %get3A_237 = arith.constant 0 : index
    %get3A_238 = vector.load %arg8[%get3A_236, %get3A_237] : memref<4096x1024xbf16, #tpu.memory_space<vmem>>, vector<272x1024xbf16>
    %sub3A_239 = vector.broadcast %multiple_of3A_235 : i32 to vector<256x1xi32>
    %sub3A_240 = arith.subi %get3A_193, %sub3A_239 : vector<256x1xi32>
    %broadcast_in_dim3A_241 = vector.shape_cast %sub3A_240 : vector<256x1xi32> to vector<256x1xi32>
    %broadcast_in_dim3A_242 = vector.broadcast %broadcast_in_dim3A_241 : vector<256x1xi32> to vector<256x272xi32>
    %iota3A_243 = tpu.iota {dimensions = array<i32: 1>} : vector<256x272xi32>
    %eq3A_244 = arith.cmpi eq, %broadcast_in_dim3A_242, %iota3A_243 : vector<256x272xi32>
    %convert_element_type3A_245 = arith.extui %eq3A_244 : vector<256x272xi1> to vector<256x272xi32>
    %convert_element_type3A_246 = arith.sitofp %convert_element_type3A_245 : vector<256x272xi32> to vector<256x272xf32>
    %convert_element_type3A_247 = arith.truncf %convert_element_type3A_246 : vector<256x272xf32> to vector<256x272xbf16>
    %dot_general3A_248 = arith.constant dense<0.000000e+00> : vector<256x1024xf32>
    %dot_general3A_249 = tpu.matmul %convert_element_type3A_247, %get3A_238, %dot_general3A_248 {dimension_numbers = #tpu.dot_dimension_numbers<[1], [0], [0], [1], [0, 0, 1, 1], [], []>, transpose_lhs_hint = false} : vector<256x272xbf16>, vector<272x1024xbf16>, vector<256x1024xf32> -> vector<256x1024xf32>
    %swap3A_250 = arith.constant 0 : index
    %swap3A_251 = arith.constant 512 : index
    %swap3A_252 = arith.constant 0 : index
    %swap3A_253 = vector.load %arg6[%swap3A_250, %swap3A_251, %swap3A_252] : memref<1x1024x1024xf32, #tpu.memory_space<vmem>>, vector<1x256x1024xf32>
    %swap3A_254 = vector.shape_cast %swap3A_253 : vector<1x256x1024xf32> to vector<256x1024xf32>
    %swap3A_255 = vector.shape_cast %dot_general3A_249 : vector<256x1024xf32> to vector<1x256x1024xf32>
    tpu.vector_store %arg6[%swap3A_250, %swap3A_251, %swap3A_252], %swap3A_255 {strides = array<i32>} : memref<1x1024x1024xf32, #tpu.memory_space<vmem>>, vector<1x256x1024xf32>,
    %mul3A_256 = arith.constant 4 : i32
    %mul3A_257 = arith.muli %arg1, %mul3A_256 : i32
    %add3A_258 = arith.constant 3 : i32
    %add3A_259 = arith.addi %mul3A_257, %add3A_258 : i32
    %mul3A_260 = arith.constant 256 : i32
    %mul3A_261 = arith.muli %add3A_259, %mul3A_260 : i32
    %lt3A_262 = arith.cmpi slt, %mul3A_261, %get3A_0 : i32
    %convert_element_type3A_263 = arith.extui %lt3A_262 : i1 to i32
    %cond3A_264 = arith.constant 0 : i32
    %cond3A_265 = arith.cmpi ne, %convert_element_type3A_263, %cond3A_264 : i32
    scf.if %cond3A_265 {
      %get3A_345 = arith.constant 0 : index
      %get3A_346 = arith.constant 3 : index
      %get3A_347 = arith.constant 0 : index
      %get3A_348 = arith.constant 0 : index
      %get3A_349 = vector.load %arg3[%get3A_345, %get3A_346, %get3A_347, %get3A_348] : memref<1x4x1x256xf32, #tpu.memory_space<vmem>>, vector<1x1x1x256xf32>
      %get3A_350 = vector.shape_cast %get3A_349 : vector<1x1x1x256xf32> to vector<1x256xf32>
      %jit3A_351 = arith.constant 9.99999974E-5 : f32
      %jit3A_352 = arith.constant 0.999899983 : f32
      %max3A_353 = vector.broadcast %jit3A_351 : f32 to vector<1x256xf32>
      %max3A_354 = arith.maximumf %max3A_353, %get3A_350 : vector<1x256xf32>
      %min3A_355 = vector.broadcast %jit3A_352 : f32 to vector<1x256xf32>
      %min3A_356 = arith.minimumf %min3A_355, %max3A_354 : vector<1x256xf32>
      %sub3A_357 = arith.constant 1.000000e+00 : f32
      %sub3A_358 = vector.broadcast %sub3A_357 : f32 to vector<1x256xf32>
      %sub3A_359 = arith.subf %sub3A_358, %min3A_356 : vector<1x256xf32>
      %div3A_360 = arith.constant 1.000000e+00 : f32
      %div3A_361 = vector.broadcast %div3A_360 : f32 to vector<1x256xf32>
      %div3A_362 = arith.divf %div3A_361, %sub3A_359 : vector<1x256xf32>
      %log3A = math.log %div3A_362 : vector<1x256xf32>
      %convert_element_type3A_363 = arith.truncf %log3A : vector<1x256xf32> to vector<1x256xbf16>
      %convert_element_type3A_364 = arith.extf %convert_element_type3A_363 : vector<1x256xbf16> to vector<1x256xf32>
      %convert_element_type3A_365 = arith.truncf %min3A_356 : vector<1x256xf32> to vector<1x256xbf16>
      %convert_element_type3A_366 = arith.extf %convert_element_type3A_365 : vector<1x256xbf16> to vector<1x256xf32>
      %broadcast_in_dim3A_367 = vector.shape_cast %convert_element_type3A_364 : vector<1x256xf32> to vector<1x256xf32>
      %broadcast_in_dim3A_368 = vector.broadcast %broadcast_in_dim3A_367 : vector<1x256xf32> to vector<256x256xf32>
      %le3A_369 = arith.cmpi sle, %iota3A_3, %iota3A : vector<256x256xi32>
      %jit3A_370 = arith.constant 0.000000e+00 : f32
      %broadcast_in_dim3A_371 = vector.broadcast %jit3A_370 : f32 to vector<256x256xf32>
      %select_n3A_372 = arith.select %le3A_369, %broadcast_in_dim3A_368, %broadcast_in_dim3A_371 : vector<256x256xi1>, vector<256x256xf32>
      %reduce_sum3A = arith.constant dense<0.000000e+00> : vector<256xf32>
      %reduce_sum3A_373 = vector.multi_reduction <add>, %select_n3A_372, %reduce_sum3A [1] : vector<256x256xf32> to vector<256xf32>
      %broadcast_in_dim3A_374 = vector.shape_cast %reduce_sum3A_373 : vector<256xf32> to vector<256x1xf32>
      %convert_element_type3A_375 = arith.truncf %convert_element_type3A_364 : vector<1x256xf32> to vector<1x256xbf16>
      %dot_general3A_376 = arith.constant dense<0.000000e+00> : vector<1x256xf32>
      %dot_general3A_377 = tpu.matmul %convert_element_type3A_375, %convert_element_type3A_6, %dot_general3A_376 {dimension_numbers = #tpu.dot_dimension_numbers<[1], [0], [0], [1], [0, 0, 1, 1], [], []>, transpose_lhs_hint = false} : vector<1x256xbf16>, vector<256x256xbf16>, vector<1x256xf32> -> vector<1x256xf32>
      %broadcast_in_dim3A_378 = vector.shape_cast %dot_general3A_377 : vector<1x256xf32> to vector<1x256xf32>
      %broadcast_in_dim3A_379 = vector.broadcast %broadcast_in_dim3A_378 : vector<1x256xf32> to vector<256x256xf32>
      %sub3A_380 = vector.broadcast %broadcast_in_dim3A_374 : vector<256x1xf32> to vector<256x256xf32>
      %sub3A_381 = arith.subf %broadcast_in_dim3A_379, %sub3A_380 : vector<256x256xf32>
      %le3A_382 = arith.cmpi sle, %iota3A_3, %iota3A : vector<256x256xi32>
      %exp3A = math.exp %sub3A_381 : vector<256x256xf32>
      %jit3A_383 = arith.constant 0.000000e+00 : f32
      %broadcast_in_dim3A_384 = vector.broadcast %jit3A_383 : f32 to vector<256x256xf32>
      %select_n3A_385 = arith.select %le3A_382, %exp3A, %broadcast_in_dim3A_384 : vector<256x256xi1>, vector<256x256xf32>
      %broadcast_in_dim3A_386 = vector.shape_cast %convert_element_type3A_366 : vector<1x256xf32> to vector<1x256xf32>
      %broadcast_in_dim3A_387 = vector.broadcast %broadcast_in_dim3A_386 : vector<1x256xf32> to vector<256x256xf32>
      %mul3A_388 = arith.mulf %select_n3A_385, %broadcast_in_dim3A_387 : vector<256x256xf32>
      %get3A_389 = arith.constant 0 : index
      %get3A_390 = arith.constant 768 : index
      %get3A_391 = arith.constant 0 : index
      %get3A_392 = vector.load %arg4[%get3A_389, %get3A_390, %get3A_391] : memref<1x1024x1024xf32, #tpu.memory_space<vmem>>, vector<1x256x1024xf32>
      %get3A_393 = vector.shape_cast %get3A_392 : vector<1x256x1024xf32> to vector<256x1024xf32>
      %convert_element_type3A_394 = arith.truncf %get3A_393 : vector<256x1024xf32> to vector<256x1024xbf16>
      %convert_element_type3A_395 = arith.truncf %mul3A_388 : vector<256x256xf32> to vector<256x256xbf16>
      %dot_general3A_396 = arith.constant dense<0.000000e+00> : vector<256x1024xf32>
      %dot_general3A_397 = tpu.matmul %convert_element_type3A_395, %convert_element_type3A_394, %dot_general3A_396 {dimension_numbers = #tpu.dot_dimension_numbers<[1], [0], [0], [1], [0, 0, 1, 1], [], []>, transpose_lhs_hint = false} : vector<256x256xbf16>, vector<256x1024xbf16>, vector<256x1024xf32> -> vector<256x1024xf32>
      %neg3A = arith.constant 0.000000e+00 : f32
      %neg3A_398 = vector.broadcast %neg3A : f32 to vector<256x1xf32>
      %neg3A_399 = arith.subf %neg3A_398, %broadcast_in_dim3A_374 : vector<256x1xf32>
      %exp3A_400 = math.exp %neg3A_399 : vector<256x1xf32>
      %get3A_401 = arith.constant 0 : index
      %get3A_402 = arith.constant 0 : index
      %get3A_403 = vector.load %arg7[%get3A_401, %get3A_402] : memref<8x1024xf32, #tpu.memory_space<vmem>>, vector<1x1024xf32>
      %mul3A_404 = vector.broadcast %exp3A_400 : vector<256x1xf32> to vector<256x1024xf32>
      %mul3A_405 = vector.broadcast %get3A_403 : vector<1x1024xf32> to vector<256x1024xf32>
      %mul3A_406 = arith.mulf %mul3A_404, %mul3A_405 : vector<256x1024xf32>
      %add3A_407 = arith.addf %dot_general3A_397, %mul3A_406 : vector<256x1024xf32>
      %slice3A = vector.extract_strided_slice %add3A_407 {offsets = [255, 0], sizes = [1, 1024], strides = [1, 1]} : vector<256x1024xf32> to vector<1x1024xf32>
      %swap3A_408 = arith.constant 0 : index
      %swap3A_409 = arith.constant 0 : index
      %swap3A_410 = vector.load %arg7[%swap3A_408, %swap3A_409] : memref<8x1024xf32, #tpu.memory_space<vmem>>, vector<1x1024xf32>
      tpu.vector_store %arg7[%swap3A_408, %swap3A_409], %slice3A {strides = array<i32>} : memref<8x1024xf32, #tpu.memory_space<vmem>>, vector<1x1024xf32>,
      %convert_element_type3A_411 = arith.truncf %add3A_407 : vector<256x1024xf32> to vector<256x1024xbf16>
      %mul3A_412 = arith.constant 256 : i32
      %mul3A_413 = arith.muli %add3A_259, %mul3A_412 : i32
      %swap3A_414 = arith.index_cast %mul3A_413 : i32 to index
      %swap3A_415 = arith.constant 0 : index
      %swap3A_416 = vector.load %arg8[%swap3A_414, %swap3A_415] : memref<4096x1024xbf16, #tpu.memory_space<vmem>>, vector<256x1024xbf16>
      tpu.vector_store %arg8[%swap3A_414, %swap3A_415], %convert_element_type3A_411 {strides = array<i32>} : memref<4096x1024xbf16, #tpu.memory_space<vmem>>, vector<256x1024xbf16>,
    } else {
    }
    %not3A_266 = arith.constant true
    %not3A_267 = arith.xori %lt3A_262, %not3A_266 : i1
    %sub3A_268 = arith.constant 2 : i32
    %sub3A_269 = arith.subi %add3A_259, %sub3A_268 : i32
    %mul3A_270 = arith.constant 256 : i32
    %mul3A_271 = arith.muli %sub3A_269, %mul3A_270 : i32
    %lt3A_272 = arith.cmpi slt, %mul3A_271, %get3A_0 : i32
    %and3A_273 = arith.andi %not3A_267, %lt3A_272 : i1
    %convert_element_type3A_274 = arith.extui %and3A_273 : i1 to i32
    %cond3A_275 = arith.constant 0 : i32
    %cond3A_276 = arith.cmpi ne, %convert_element_type3A_274, %cond3A_275 : i32
    scf.if %cond3A_276 {
      %broadcast_in_dim3A_345 = arith.constant 0.000000e+00 : bf16
      %broadcast_in_dim3A_346 = vector.broadcast %broadcast_in_dim3A_345 : bf16 to vector<256x1024xbf16>
      %mul3A_347 = arith.constant 256 : i32
      %mul3A_348 = arith.muli %add3A_259, %mul3A_347 : i32
      %swap3A_349 = arith.index_cast %mul3A_348 : i32 to index
      %swap3A_350 = arith.constant 0 : index
      %swap3A_351 = vector.load %arg8[%swap3A_349, %swap3A_350] : memref<4096x1024xbf16, #tpu.memory_space<vmem>>, vector<256x1024xbf16>
      tpu.vector_store %arg8[%swap3A_349, %swap3A_350], %broadcast_in_dim3A_346 {strides = array<i32>} : memref<4096x1024xbf16, #tpu.memory_space<vmem>>, vector<256x1024xbf16>,
    } else {
    }
    %get3A_277 = arith.constant 0 : index
    %get3A_278 = arith.constant 3 : index
    %get3A_279 = arith.constant 0 : index
    %get3A_280 = arith.constant 0 : index
    %get3A_281 = vector.load %arg5[%get3A_277, %get3A_278, %get3A_279, %get3A_280] : memref<1x4x256x1xi32, #tpu.memory_space<vmem>>, vector<1x1x256x1xi32>
    %get3A_282 = vector.shape_cast %get3A_281 : vector<1x1x256x1xi32> to vector<256x1xi32>
    %get3A_283 = arith.constant 0 : index
    %get3A_284 = arith.constant 3 : index
    %get3A_285 = arith.constant 0 : index
    %get3A_286 = arith.constant 0 : index
    %get3A_287 = vector.load %arg5[%get3A_283, %get3A_284, %get3A_285, %get3A_286] : memref<1x4x256x1xi32, #tpu.memory_space<vmem>>, vector<1x1x1x1xi32>
    %get3A_288 = vector.extract %get3A_287[0, 0, 0, 0] : i32 from vector<1x1x1x1xi32>
    %jit3A_289 = arith.constant 16 : i32
    %div3A_290 = arith.divsi %get3A_288, %jit3A_289 : i32
    %sign3A_291 = arith.constant 0 : i32
    %sign3A_292 = arith.cmpi sgt, %get3A_288, %sign3A_291 : i32
    %sign3A_293 = arith.extui %sign3A_292 : i1 to i32
    %sign3A_294 = arith.constant 0 : i32
    %sign3A_295 = arith.cmpi slt, %get3A_288, %sign3A_294 : i32
    %sign3A_296 = arith.extui %sign3A_295 : i1 to i32
    %sign3A_297 = arith.subi %sign3A_293, %sign3A_296 : i32
    %sign3A_298 = arith.constant 0 : i32
    %sign3A_299 = arith.cmpi sgt, %jit3A_289, %sign3A_298 : i32
    %sign3A_300 = arith.extui %sign3A_299 : i1 to i32
    %sign3A_301 = arith.constant 0 : i32
    %sign3A_302 = arith.cmpi slt, %jit3A_289, %sign3A_301 : i32
    %sign3A_303 = arith.extui %sign3A_302 : i1 to i32
    %sign3A_304 = arith.subi %sign3A_300, %sign3A_303 : i32
    %ne3A_305 = arith.cmpi ne, %sign3A_297, %sign3A_304 : i32
    %rem3A_306 = arith.remsi %get3A_288, %jit3A_289 : i32
    %ne3A_307 = arith.constant 0 : i32
    %ne3A_308 = arith.cmpi ne, %rem3A_306, %ne3A_307 : i32
    %and3A_309 = arith.andi %ne3A_305, %ne3A_308 : i1
    %sub3A_310 = arith.constant 1 : i32
    %sub3A_311 = arith.subi %div3A_290, %sub3A_310 : i32
    %select_n3A_312 = arith.select %and3A_309, %sub3A_311, %div3A_290 : i32
    %mul3A_313 = arith.constant 16 : i32
    %mul3A_314 = arith.muli %select_n3A_312, %mul3A_313 : i32
    %add3A_315 = arith.constant 1 : i32
    %add3A_316 = arith.addi %add3A_259, %add3A_315 : i32
    %mul3A_317 = arith.constant 256 : i32
    %mul3A_318 = arith.muli %add3A_316, %mul3A_317 : i32
    %sub3A_319 = arith.constant 272 : i32
    %sub3A_320 = arith.subi %mul3A_318, %sub3A_319 : i32
    %min3A_321 = arith.minsi %mul3A_314, %sub3A_320 : i32
    %max3A_322 = arith.constant 0 : i32
    %max3A_323 = arith.maxsi %min3A_321, %max3A_322 : i32
    %multiple_of3A_324 = tpu.assume_multiple %max3A_323, 16 : i32
    %get3A_325 = arith.index_cast %multiple_of3A_324 : i32 to index
    %get3A_326 = arith.constant 0 : index
    %get3A_327 = vector.load %arg8[%get3A_325, %get3A_326] : memref<4096x1024xbf16, #tpu.memory_space<vmem>>, vector<272x1024xbf16>
    %sub3A_328 = vector.broadcast %multiple_of3A_324 : i32 to vector<256x1xi32>
    %sub3A_329 = arith.subi %get3A_282, %sub3A_328 : vector<256x1xi32>
    %broadcast_in_dim3A_330 = vector.shape_cast %sub3A_329 : vector<256x1xi32> to vector<256x1xi32>
    %broadcast_in_dim3A_331 = vector.broadcast %broadcast_in_dim3A_330 : vector<256x1xi32> to vector<256x272xi32>
    %iota3A_332 = tpu.iota {dimensions = array<i32: 1>} : vector<256x272xi32>
    %eq3A_333 = arith.cmpi eq, %broadcast_in_dim3A_331, %iota3A_332 : vector<256x272xi32>
    %convert_element_type3A_334 = arith.extui %eq3A_333 : vector<256x272xi1> to vector<256x272xi32>
    %convert_element_type3A_335 = arith.sitofp %convert_element_type3A_334 : vector<256x272xi32> to vector<256x272xf32>
    %convert_element_type3A_336 = arith.truncf %convert_element_type3A_335 : vector<256x272xf32> to vector<256x272xbf16>
    %dot_general3A_337 = arith.constant dense<0.000000e+00> : vector<256x1024xf32>
    %dot_general3A_338 = tpu.matmul %convert_element_type3A_336, %get3A_327, %dot_general3A_337 {dimension_numbers = #tpu.dot_dimension_numbers<[1], [0], [0], [1], [0, 0, 1, 1], [], []>, transpose_lhs_hint = false} : vector<256x272xbf16>, vector<272x1024xbf16>, vector<256x1024xf32> -> vector<256x1024xf32>
    %swap3A_339 = arith.constant 0 : index
    %swap3A_340 = arith.constant 768 : index
    %swap3A_341 = arith.constant 0 : index
    %swap3A_342 = vector.load %arg6[%swap3A_339, %swap3A_340, %swap3A_341] : memref<1x1024x1024xf32, #tpu.memory_space<vmem>>, vector<1x256x1024xf32>
    %swap3A_343 = vector.shape_cast %swap3A_342 : vector<1x256x1024xf32> to vector<256x1024xf32>
    %swap3A_344 = vector.shape_cast %dot_general3A_338 : vector<256x1024xf32> to vector<1x256x1024xf32>
    tpu.vector_store %arg6[%swap3A_339, %swap3A_340, %swap3A_341], %swap3A_344 {strides = array<i32>} : memref<1x1024x1024xf32, #tpu.memory_space<vmem>>, vector<1x256x1024xf32>,
    return
  }
  func.func @transform_0(%arg0: i32, %arg1: i32, %arg2: memref<8xi32, #tpu.memory_space<smem>>) -> (i32, i32, i32, i32) {
    %get3A = arith.index_cast %arg0 : i32 to index
    %get3A_0 = memref.load %arg2[%get3A] : memref<8xi32, #tpu.memory_space<smem>>
    %sub3A = arith.constant 1 : i32
    %sub3A_1 = arith.subi %get3A_0, %sub3A : i32
    %max3A = arith.constant 0 : i32
    %max3A_2 = arith.maxsi %sub3A_1, %max3A : i32
    %jit3A = arith.constant 1024 : i32
    %div3A = arith.divsi %max3A_2, %jit3A : i32
    %sign3A = arith.constant 0 : i32
    %sign3A_3 = arith.cmpi sgt, %max3A_2, %sign3A : i32
    %sign3A_4 = arith.extui %sign3A_3 : i1 to i32
    %sign3A_5 = arith.constant 0 : i32
    %sign3A_6 = arith.cmpi slt, %max3A_2, %sign3A_5 : i32
    %sign3A_7 = arith.extui %sign3A_6 : i1 to i32
    %sign3A_8 = arith.subi %sign3A_4, %sign3A_7 : i32
    %sign3A_9 = arith.constant 0 : i32
    %sign3A_10 = arith.cmpi sgt, %jit3A, %sign3A_9 : i32
    %sign3A_11 = arith.extui %sign3A_10 : i1 to i32
    %sign3A_12 = arith.constant 0 : i32
    %sign3A_13 = arith.cmpi slt, %jit3A, %sign3A_12 : i32
    %sign3A_14 = arith.extui %sign3A_13 : i1 to i32
    %sign3A_15 = arith.subi %sign3A_11, %sign3A_14 : i32
    %ne3A = arith.cmpi ne, %sign3A_8, %sign3A_15 : i32
    %rem3A = arith.remsi %max3A_2, %jit3A : i32
    %ne3A_16 = arith.constant 0 : i32
    %ne3A_17 = arith.cmpi ne, %rem3A, %ne3A_16 : i32
    %and3A = arith.andi %ne3A, %ne3A_17 : i1
    %sub3A_18 = arith.constant 1 : i32
    %sub3A_19 = arith.subi %div3A, %sub3A_18 : i32
    %select_n3A = arith.select %and3A, %sub3A_19, %div3A : i32
    %min3A = arith.constant 3 : i32
    %min3A_20 = arith.minsi %select_n3A, %min3A : i32
    %min3A_21 = arith.minsi %arg1, %min3A_20 : i32
    %c0_i32 = arith.constant 0 : i32
    %c0_i32_22 = arith.constant 0 : i32
    %c0_i32_23 = arith.constant 0 : i32
    return %arg0, %min3A_21, %c0_i32, %c0_i32_22 : i32, i32, i32, i32
  }
  func.func @transform_1(%arg0: i32, %arg1: i32, %arg2: memref<8xi32, #tpu.memory_space<smem>>) -> (i32, i32, i32) {
    %get3A = arith.index_cast %arg0 : i32 to index
    %get3A_0 = memref.load %arg2[%get3A] : memref<8xi32, #tpu.memory_space<smem>>
    %sub3A = arith.constant 1 : i32
    %sub3A_1 = arith.subi %get3A_0, %sub3A : i32
    %max3A = arith.constant 0 : i32
    %max3A_2 = arith.maxsi %sub3A_1, %max3A : i32
    %jit3A = arith.constant 1024 : i32
    %div3A = arith.divsi %max3A_2, %jit3A : i32
    %sign3A = arith.constant 0 : i32
    %sign3A_3 = arith.cmpi sgt, %max3A_2, %sign3A : i32
    %sign3A_4 = arith.extui %sign3A_3 : i1 to i32
    %sign3A_5 = arith.constant 0 : i32
    %sign3A_6 = arith.cmpi slt, %max3A_2, %sign3A_5 : i32
    %sign3A_7 = arith.extui %sign3A_6 : i1 to i32
    %sign3A_8 = arith.subi %sign3A_4, %sign3A_7 : i32
    %sign3A_9 = arith.constant 0 : i32
    %sign3A_10 = arith.cmpi sgt, %jit3A, %sign3A_9 : i32
    %sign3A_11 = arith.extui %sign3A_10 : i1 to i32
    %sign3A_12 = arith.constant 0 : i32
    %sign3A_13 = arith.cmpi slt, %jit3A, %sign3A_12 : i32
    %sign3A_14 = arith.extui %sign3A_13 : i1 to i32
    %sign3A_15 = arith.subi %sign3A_11, %sign3A_14 : i32
    %ne3A = arith.cmpi ne, %sign3A_8, %sign3A_15 : i32
    %rem3A = arith.remsi %max3A_2, %jit3A : i32
    %ne3A_16 = arith.constant 0 : i32
    %ne3A_17 = arith.cmpi ne, %rem3A, %ne3A_16 : i32
    %and3A = arith.andi %ne3A, %ne3A_17 : i1
    %sub3A_18 = arith.constant 1 : i32
    %sub3A_19 = arith.subi %div3A, %sub3A_18 : i32
    %select_n3A = arith.select %and3A, %sub3A_19, %div3A : i32
    %min3A = arith.constant 3 : i32
    %min3A_20 = arith.minsi %select_n3A, %min3A : i32
    %min3A_21 = arith.minsi %arg1, %min3A_20 : i32
    %c0_i32 = arith.constant 0 : i32
    %c0_i32_22 = arith.constant 0 : i32
    return %arg0, %min3A_21, %c0_i32 : i32, i32, i32
  }
  func.func @transform_2(%arg0: i32, %arg1: i32, %arg2: memref<8xi32, #tpu.memory_space<smem>>) -> (i32, i32, i32, i32) {
    %c0_i32 = arith.constant 0 : i32
    %c0_i32_0 = arith.constant 0 : i32
    %c0_i32_1 = arith.constant 0 : i32
    return %arg0, %arg1, %c0_i32, %c0_i32_0 : i32, i32, i32, i32
  }
  func.func @transform_3(%arg0: i32, %arg1: i32, %arg2: memref<8xi32, #tpu.memory_space<smem>>) -> (i32, i32, i32) {
    %c0_i32 = arith.constant 0 : i32
    %c0_i32_0 = arith.constant 0 : i32
    return %arg0, %arg1, %c0_i32 : i32, i32, i32
  }
}

</mosaic_0001>

<sc_bundles>
// kernel: kernel.4.cloned.1.call-start
scs
__scs_entry_jumppad:
0x0: {  	(pc) =	sbr.rel $0x88, $3  }
0x1: {  	(tag) =	ssettag $0x0;
	lr =	simm.s32 $0x1  }
0x2: {  	[smem:$0x3F9E] =	sst lr;
	_ =	strace $0xD0000000  }
0x3: {  	_ = 	snop  }
0x4: {  	_ = 	snop  }
0x5: {  	_ = 	snop  }
0x6: {  	_ = 	snop  }
0x7: {  	_ = 	snop  }
__scs_overlays_trampoline_lowered:
0x8: {  	[smem:$0x3FAD] =	sst s0  }
0x9: {  	[smem:$0x3FAE] =	sst s1  }
0xa: {  	[smem:$0x3FAF] =	sst s2  }
0xb: {  	[smem:$0x3FB0] =	sst s3  }
0xc: {  	[smem:$0x3FB1] =	sst s4  }
0xd: {  	[smem:$0x3FB2] =	sst s5  }
0xe: {  	[smem:$0x3FB3] =	sst s6  }
0xf: {  	[smem:$0x3FB4] =	sst s7  }
0x10: {  	[smem:$0x3FB5] =	sst s8  }
0x11: {  	[smem:$0x3FB6] =	sst s9;
	s0 =	simm.s32 @!p0 $0x0  }
0x12: {  	s1 =	sld [smem:$0x3F9C];
	s0 =	simm.s32 @p0 $0x1  }
0x13: {  	[smem:$0x3FB7] =	sst s0;
	s0 =	simm.s32 @!p1 $0x0  }
0x14: {  	s2 =	sld [smem:$0x3F9B];
	s0 =	simm.s32 @p1 $0x1  }
0x15: {  	[smem:$0x3FB8] =	sst s0;
	s0 =	simm.s32 @!p2 $0x0  }
0x16: {  	s3 =	sld [smem:$0x3FDB];
	s0 =	simm.s32 @p2 $0x1  }
0x17: {  	s4 =	simm.s32 $0x1BF5;
	[smem:$0x3FBA] =	sst s0  }
0x18: {  	s0 =	sld [smem:$0x3F9D];
	_ =	swait.ge [sflag:s4], $0x0  }
0x19: {  	s7 =	sld [smem:$0x3F9E]  }
0x1a: {  	s8 =	sadd.s32 $0xFFFFE003, lr  }
0x1b: {  	s9 =	sadd.s32 $0xFFFFFEF7, lr;
	s5 =	simm.s32 $0xFFFFFFFF;
	p2 =	slt.u32 s8, $0xFFFFF086  }
0x1c: {  	p1 =	slt.u32 s9, $0xF7A;
	s5 =	simm.s32 @!p2 $0x0  }
0x1d: {  	s5 =	simm.s32 @p1 $0x1;
	p0 =	seq.s32 s7, s2  }
0x1e: {  	s7 =	smul.u32 @!p0 $0xF7A, s2;
	p2 =	seq.s32 @!p0 s5, $0x0  }
0x1f: {  	s9 =	smul.u32 $0xF7A, s1;
	s8 =	simm.s32 @!p0 $0x1BF5;
	p2 =	por !p2, p0  }
0x20: {  	[sflag:s8] =	ssyncset.s32 @!p0 $0xFFFFF086;
	s6 =	sadd.s32 @!p0 s3, s7;
	s7 =	simm.s32 @!p0 $0x108  }
0x21: {  	s3 =	sadd.s32 s3, s9;
	s6 =	sadd.s32 @!p0 $0x88, s6;
	s7 =	simm.s32 @p2 $0x1082  }
0x22: {  	[simem:s7], [sflag:s8] =	dma.local @!p0 [hbm:s6], $0xF7A  }
0x23: {  	s9 =	sor.u32 $0xD0000000, s2;
	s6 =	simm.s32 $0x108;
	_ =	swait.ge @!p0 [sflag:s8], $0x0  }
0x24: {  	s3 =	sadd.s32 $0x88, s3;
	s6 =	simm.s32 @!p1 $0x1082;
	[sflag:s4] =	ssyncset.s32 $0xFFFFF086  }
0x25: {  	[simem:s6], [sflag:s4] =	dma.local [hbm:s3], $0xF7A  }
0x26: {  	[smem:$0x3F9E] =	sst s1;
	(tag) =	ssettag s2;
	_ =	strace s9  }
0x27: {  	s1 =	sld [smem:$0x3FAE]  }
0x28: {  	s2 =	sld [smem:$0x3FAF]  }
0x29: {  	s4 =	sld [smem:$0x3FB1]  }
0x2a: {  	p0 =	seq.s32 s5, $0x0;
	s5 =	sld [smem:$0x3FB2]  }
0x2b: {  	s6 =	sld [smem:$0x3FB3]  }
0x2c: {  	s7 =	sld [smem:$0x3FB4]  }
0x2d: {  	s3 =	simm.s32 $0x108;
	s8 =	sld [smem:$0x3FB5]  }
0x2e: {  	s3 =	simm.s32 @!p0 $0x1082;
	s9 =	sld [smem:$0x3FB6]  }
0x2f: {  	lr =	sadd.s32 s0, s3;
	s0 =	sld [smem:$0x3FAD]  }
0x30: {  	s3 =	sld [smem:$0x3FB0]  }
0x31: {  	[smem:$0x3FB9] =	sst s10  }
0x32: {  	s10 =	sld [smem:$0x3FB7];
	_ =	sdelay $0x3  }
0x33: {  	p0 =	seq.s32 s10, $0x1;
	s10 =	sld [smem:$0x3FB9];
	_ =	sdelay $0x3  }
0x34: {  	[smem:$0x3FB9] =	sst s10  }
0x35: {  	s10 =	sld [smem:$0x3FB8];
	_ =	sdelay $0x3  }
0x36: {  	p1 =	seq.s32 s10, $0x1;
	s10 =	sld [smem:$0x3FB9];
	_ =	sdelay $0x3  }
0x37: {  	[smem:$0x3FB9] =	sst s10  }
0x38: {  	s10 =	sld [smem:$0x3FBA]  }
0x39: {  	_ = 	snop;
	(pc) =	sbr.ind lr, $3  }
0x3a: {  	_ = 	snop  }
0x3b: {  	_ = 	snop  }
0x3c: {  	p2 =	seq.s32 s10, $0x1;
	s10 =	sld [smem:$0x3FB9]  }
0x3d: {  	_ =	shalt  }
0x3e: {  	_ =	shalt  }
0x3f: {  	_ =	shalt  }
0x40: {  	_ =	shalt  }
0x41: {  	_ =	shalt  }
0x42: {  	_ =	shalt  }
0x43: {  	_ =	shalt  }
0x44: {  	_ =	shalt  }
0x45: {  	_ =	shalt  }
0x46: {  	_ =	shalt  }
0x47: {  	_ =	shalt  }
0x48: {  	_ =	shalt  }
0x49: {  	_ =	shalt  }
0x4a: {  	_ =	shalt  }
0x4b: {  	_ =	shalt  }
0x4c: {  	_ =	shalt  }
0x4d: {  	_ =	shalt  }
0x4e: {  	_ =	shalt  }
0x4f: {  	_ =	shalt  }
0x50: {  	_ =	shalt  }
0x51: {  	_ =	shalt  }
0x52: {  	_ =	shalt  }
0x53: {  	_ =	shalt  }
0x54: {  	_ =	shalt  }
0x55: {  	_ =	shalt  }
0x56: {  	_ =	shalt  }
0x57: {  	_ =	shalt  }
0x58: {  	_ =	shalt  }
0x59: {  	_ =	shalt  }
0x5a: {  	_ =	shalt  }
0x5b: {  	_ =	shalt  }
0x5c: {  	_ =	shalt  }
0x5d: {  	_ =	shalt  }
0x5e: {  	_ =	shalt  }
0x5f: {  	_ =	shalt  }
0x60: {  	_ =	shalt  }
0x61: {  	_ =	shalt  }
0x62: {  	_ =	shalt  }
0x63: {  	_ =	shalt  }
0x64: {  	_ =	shalt  }
0x65: {  	_ =	shalt  }
0x66: {  	_ =	shalt  }
0x67: {  	_ =	shalt  }
0x68: {  	_ =	shalt  }
0x69: {  	_ =	shalt  }
0x6a: {  	_ =	shalt  }
0x6b: {  	_ =	shalt  }
0x6c: {  	_ =	shalt  }
0x6d: {  	_ =	shalt  }
0x6e: {  	_ =	shalt  }
0x6f: {  	_ =	shalt  }
0x70: {  	_ =	shalt  }
0x71: {  	_ =	shalt  }
0x72: {  	_ =	shalt  }
0x73: {  	_ =	shalt  }
0x74: {  	_ =	shalt  }
0x75: {  	_ =	shalt  }
0x76: {  	_ =	shalt  }
0x77: {  	_ =	shalt  }
0x78: {  	_ =	shalt  }
0x79: {  	_ =	shalt  }
0x7a: {  	_ =	shalt  }
0x7b: {  	_ =	shalt  }
0x7c: {  	_ =	shalt  }
0x7d: {  	_ =	shalt  }
0x7e: {  	_ =	shalt  }
0x7f: {  	_ =	shalt  }
0x80: {  	_ =	shalt  }
0x81: {  	_ =	shalt  }
0x82: {  	_ =	shalt  }
0x83: {  	_ =	shalt  }
0x84: {  	_ =	shalt  }
0x85: {  	_ =	shalt  }
0x86: {  	_ =	shalt  }
0x87: {  	_ =	shalt  }
.Lfunc_end0:
.L_simem_size_0:
called_computation_lowered:
.L_overlay_start_0:
0x88: {  	s2 =	sld [smem:$0x3FD9]  }
0x89: {  	s3 =	sld [smem:$0x3FFE];
	_ =	sdelay $0x1  }
0x8a: {  	s1 =	srdreg.scid  }
0x8b: {  	s0 =	sand.u32 $0x1, s1  }
0x8c: {  	s17 =	sshll.u32 s0, $0xA;
	s2 =	sadd.s32 s3, s2  }
0x8d: {  	s2 =	sadd.s32 s2, s17  }
0x8e: {  	[smem:$0x3FC5] =	sst s2  }
0x8f: {  	_ = 	snop  }
0x90: {  	s2 =	sld [smem:$0x3FD0];
	(tm) =	ssettm $0x1  }
0x91: {  	s18 =	sld [smem:$0x3FFB];
	_ =	sdelay $0x3  }
0x92: {  	_ =	strace s18  }
0x93: {  	s3 =	sld [smem:$0x3FFC];
	_ =	sdelay $0x3  }
0x94: {  	_ =	strace s3  }
0x95: {  	s3 =	sld [smem:$0x3FFD];
	_ =	sdelay $0x3  }
0x96: {  	_ =	strace s3  }
0x97: {  	_ =	strace $0x8FFFFFFF  }
0x98: {  	s19 =	sld [smem:$0x3FDB];
	_ =	sdelay $0x1  }
0x99: {  	s4 =	simm.s32 $_scs_section_size  }
0x9a: {  	s5 =	simm.s32 $_size__tile_overlayer_lowered;
	s6 =	simm.s32 $_tile_overlayer_lowered  }
0x9b: {  	s22 =	simm.s32 $0x1BFF;
	s21 =	sshll.u32 s6, $0x1;
	s3 =	sadd.s32 s4, s19  }
0x9c: {  	s7 =	simm.s32 $0x0;
	s20 =	sshll.u32 s5, $0x1;
	s5 =	sadd.s32 s21, s3  }
0x9d: {  	[timem:s7], [sflag:s22] =	dma.local [hbm:s5], s20  }
0x9e: {  	_ =	swait.ge [sflag:s22], s20  }
0x9f: {  	s4 =	ssub.s32 $0x0, s20;
	[sflag:s22] =	ssyncset.done $0x0  }
0xa0: {  	[sflag:s22] =	ssyncadd.s32 s4;
	_ =	sdelay $0x1  }
0xa1: {  	s23 =	simm.s32 $0x1B8B  }
0xa2: {  	_ =	swait.ge [sflag:s23], $0x1  }
0xa3: {  	[sflag:s23] =	ssyncset.done $0x0  }
0xa4: {  	s25 =	simm.s32 $0x1B8E;
	s24 =	sld [smem:$0x3FFE];
	[sflag:s23] =	ssyncadd.s32 $0xFFFFFFFF  }
0xa5: {  	s26 =	simm.s32 $execute0_lowered;
	[smem:$0x3FD2] =	sst s25  }
0xa6: {  	s5 =	sshll.u32 s26, $0x1;
	_ =	strace $0x80000046;
	[dreg:$0x1] =	wrdreg $0xFFFFFFFF  }
0xa7: {  	s28 =	simm.s32 $_size_execute0_lowered;
	s3 =	sadd.s32 s3, s5;
	[dreg:$0x0] =	wrdreg $0x0  }
0xa8: {  	s5 =	sshll.u32 s28, $0x1;
	[dreg:$0x2] =	wrdreg s3  }
0xa9: {  	[dreg:$0x3] =	wrdreg s5  }
0xaa: {  	[dreg:$0x4] =	wrdreg $0xC0  }
0xab: {  	_ =	task [dreg:s7], $0x5FFFF  }
0xac: {  	[dreg:$0x1] =	wrdreg $0xFFFFFFFF  }
0xad: {  	[dreg:$0x0] =	wrdreg $0x60  }
0xae: {  	[dreg:$0x2] =	wrdreg s2  }
0xaf: {  	[dreg:$0x3] =	wrdreg s24  }
0xb0: {  	[dreg:$0x4] =	wrdreg $0x9  }
0xb1: {  	_ =	task.clear_ibuf [dreg:s7], $0x5FFFF;
	_ =	strace $0x90000046  }
0xb2: {  	s29 =	simm.s32 $0x9;
	_ =	strace $0x80000048  }
0xb3: {  	_ =	swait.ge [sflag:s29], $0x1  }
0xb4: {  	[sflag:s29] =	ssyncadd.s32 $0xFFFFFFFF  }
0xb5: {  	_ =	strace $0x90000048  }
0xb6: {  	_ =	sfence  }
0xb7: {  	s30 =	sld [smem:$0x0];
	_ =	sdelay $0x2  }
0xb8: {  	s31 =	sshll.u32 s1, $0xD;
	s1 =	sshrl.u32 s1, $0x2  }
0xb9: {  	s3 =	sand.u32 $0x4000, s31;
	s1 =	sadd.s32 s1, s30  }
0xba: {  	s0 =	sor.u32 s3, s0;
	s1 =	sshll.u32 s1, $0x11  }
0xbb: {  	s0 =	sor.u32 s1, s0  }
0xbc: {  	s0 =	sadd.s32 $0x8F2B, s0  }
0xbd: {  	[sflag:s0] =	ssyncadd.remote.s32 $0x1  }
0xbe: {  	_ =	sfence.sel $0xFFFF  }
0xbf: {  	[dreg:$0x0] =	wrdreg $0xFFFFFFFF;
	(pc) =	sbr.abs _section_cstart, $3  }
0xc0: {  	[dreg:$0x1] =	wrdreg $0xFFFFFFFF  }
0xc1: {  	_ =	task.clear_ibuf [dreg:s7], $0x2FFFF;
	_ =	strace $0x9FFFFFFF  }
0xc2: {  	(tm) =	ssettm $0x7FFFFFFF  }
0xc3: {  	_ =	shalt  }
tec
execute0_lowered:
.L_overlay_start_1:
0x0: {  	(tag) =	ssettag $0x1  }
0x1: {  	s1 =	stileid.u32  }
0x2: {  	p0 =	sgt.u32 s1, $0x3  }
.Ltmp0:
0x3: {  	_ = 	snop;
	(pc) =	sbr.rel @p0 .LBB2_5-.Ltmp0, $4  }
0x4: {  	s7 =	rddreg [dreg:$0x0]  }
0x5: {  	s3 =	rddreg [dreg:$0x1];
	s2 =	simm.s32 $0x0  }
0x6: {  	[smem:$0x7FF] =	sst s2  }
0x7: {  	s0 =	rddreg [dreg:$0x2];
	_ =	strace $0x80000047  }
0x8: {  	s4 =	srdreg.scid;
	s5 =	sshll.u32 s1, $0x1;
	s12 =	simm.s32 $0x1000  }
0x9: {  	s13 =	simm.s32 $0x2000;
	s14 =	simm.s32 $0x3000;
	s4 =	sand.u32 $0x1, s4  }
0xa: {  	s15 =	simm.s32 $0x0;
	s5 =	sor.u32 s4, s5;
	s10 =	ssub.s32 $0x2, s4  }
0xb: {  	s8 =	sshll.u32 s5, $0x4;
	s5 =	sshll.u32 s5, $0x1;
	s11 =	sshrl.u32 s10, $0x1  }
0xc: {  	s6 =	sadd.s32 s8, s3;
	s9 =	sadd.s32 s5, s3;
	s31 =	ssub.s32 s10, s11  }
0xd: {  	s7 =	sadd.s32 s7, s8;
	s10 =	simm.s32 $0x400;
	s11 =	simm.s32 $0x1  }
0xe: {  	s3 =	sadd.s32 $0x400, s6;
	s4 =	sadd.s32 $0x1600, s6;
	s5 =	sadd.s32 $0x2600, s6  }
0xf: {  	v0 =	vimm.f32 $5.000000000e-01;
	s6 =	sadd.s32 $0x1400, s9;
	s8 =	smax.u32 s31, $0x1;
	s9 =	simm.s32 $0x80  }
.LBB2_2:
0x10: {  	s16 =	simm.s32 $0x0  }
0x11: {  	[tilespmem:s16], [sflag:$0x1] =	stream.strided.gather [hbm4b:s7+s9], $0x1000, s10, s9, $0x38;
	[tilespmem:$0x4000] =	vst v63  }
0x12: {  	_ =	swait.ge [sflag:s11], $0x1000  }
0x13: {  	[sflag:s11] =	ssyncset.done $0x0  }
0x14: {  	[sflag:s11] =	ssyncadd.s32 $0xFFFFF000  }
0x15: {  	[tilespmem:s12], [sflag:$0x1] =	stream.strided.gather [hbm4b:s3+s9], $0x1000, s10, s9, $0x38;
	[tilespmem:$0x4000] =	vst v63  }
0x16: {  	_ =	swait.ge [sflag:s11], $0x1000  }
0x17: {  	[sflag:s11] =	ssyncset.done $0x0  }
0x18: {  	s18 =	simm.s32 $0x0;
	[sflag:s11] =	ssyncadd.s32 $0xFFFFF000  }
0x19: {  	v1 =	vld [tilespmem:s18+$0x0];
	_ =	sdelay $0x4  }
0x1a: {  	(xrf0) =	vadd.scan.msk.s32 $0xffff, v1;
	_ =	sdelay $0x5  }
0x1b: {  	v4 =	vimm.s32 $0x0;
	v2, _, _ =	vpop (xrf0)  }
0x1c: {  	vm0 =	vgt.s32 v1, $0x0;
	v1 =	vadd.s32 v2, v4  }
0x1d: {  	v3 =	vld [tilespmem:s18+$0x1000];
	v2 =	vadd.s32 $0xFFFFFFFF, v1  }
0x1e: {  	v1 =	vmpcnt.ones.xlane vm0  }
0x1f: {  	[tilespmem:s18+$0x2000] =	vst v0  }
0x20: {  	s17 =	simm.s32 $0x80;
	s16 =	simm.s32 $0x40;
	[tilespmem:s18+$0x3000] =	vst v2;
	v1 =	vadd.s32 v4, v1  }
.LBB2_3:
0x21: {  	p0 =	sne.s32 s17, $0x3FC0  }
0x22: {  	s18 =	sshra.s32 s16, $0x2;
	[tilespmem:v2+s13+$0x0] =	vst.idx.msk vm0, v3;
	s16 =	smov.u32 s17;
	s17 =	sadd.s32 $0x40, s17  }
0x23: {  	v2 =	vld [tilespmem:s18+$0x0];
	_ =	sdelay $0x4  }
0x24: {  	(xrf0) =	vadd.scan.msk.s32 $0xffff, v2;
	_ =	sdelay $0x5  }
0x25: {  	v3, _, _ =	vpop (xrf0)  }
0x26: {  	vm0 =	vgt.s32 v2, $0x0;
	v2 =	vadd.s32 v3, v1  }
.Ltmp1:
0x27: {  	v4 =	vmpcnt.ones.xlane vm0;
	v3 =	vld [tilespmem:s18+$0x1000];
	v2 =	vadd.s32 $0xFFFFFFFF, v2;
	(pc) =	sbr.rel @p0 .LBB2_3-.Ltmp1, $3  }
0x28: {  	[tilespmem:s18+$0x3000] =	vst v2  }
0x29: {  	v1 =	vadd.s32 v1, v4;
	_ =	sdelay $0x1  }
0x2a: {  	[tilespmem:s18+$0x2000] =	vst v0  }
0x2b: {  	_ =	sdelay $0x4  }
0x2c: {  	s16 =	sshra.s32 s16, $0x2;
	[tilespmem:v2+s13+$0x0] =	vst.idx.msk vm0, v3  }
0x2d: {  	v2 =	vld [tilespmem:s16+$0x0];
	_ =	sdelay $0x4  }
0x2e: {  	(xrf0) =	vadd.scan.msk.s32 $0xffff, v2;
	_ =	sdelay $0x5  }
0x2f: {  	v3, _, _ =	vpop (xrf0)  }
0x30: {  	vm15 =	vgt.s32 v2, $0x0;
	v2 =	vadd.s32 v3, v1  }
0x31: {  	v3 =	vld [tilespmem:s16+$0x1000];
	v2 =	vadd.s32 $0xFFFFFFFF, v2;
	_ =	sdelay $0x2  }
0x32: {  	[tilespmem:s16+$0x2000] =	vst v0  }
0x33: {  	[tilespmem:s16+$0x3000] =	vst v2  }
0x34: {  	[tilespmem:v2+s13+$0x0] =	vst.idx.msk vm15, v3  }
0x35: {  	[hbm4b:s4+s9] =	stream.strided.scatter [tilespmem:s13], [sflag:$0x1], $0x1000, s10, s9, $0x38;
	[tilespmem:$0x4000] =	vst v63  }
0x36: {  	_ =	swait.ge [sflag:s11], $0x1000  }
0x37: {  	[sflag:s11] =	ssyncset.done $0x0  }
0x38: {  	[sflag:s11] =	ssyncadd.s32 $0xFFFFF000  }
0x39: {  	[hbm4b:s5+s9] =	stream.strided.scatter [tilespmem:s14], [sflag:$0x1], $0x1000, s10, s9, $0x38;
	[tilespmem:$0x4000] =	vst v63  }
0x3a: {  	v2 =	vmpcnt.ones.xlane vm15;
	_ =	swait.ge [sflag:s11], $0x1000  }
0x3b: {  	s15 =	sadd.s32 $0x1, s15;
	[sflag:s11] =	ssyncset.done $0x0  }
0x3c: {  	p0 =	sne.s32 s15, s8;
	v1 =	vadd.s32 v1, v2;
	[sflag:s11] =	ssyncadd.s32 $0xFFFFF000  }
.Ltmp2:
0x3d: {  	[tilespmem:$0x0] =	vst v1;
	(pc) =	sbr.rel @p0 .LBB2_2-.Ltmp2, $4  }
0x3e: {  	[hbm4b:s6+s2] =	stream.linear.scatter [tilespmem:s2], [sflag:$0x1], $0x10, $0x38;
	[tilespmem:$0x4000] =	vst v63  }
0x3f: {  	_ =	swait.ge [sflag:s11], $0x10  }
0x40: {  	[sflag:s11] =	ssyncset.done $0x0  }
0x41: {  	[sflag:s11] =	ssyncadd.s32 $0xFFFFFFF0  }
.LBB2_5:
0x42: {  	_ =	sfence.sel $0x180000  }
0x43: {  	[bflag:$0x0] =	sbarrier.arrive $0xFFFF  }
0x44: {  	p0 =	sne.s32 s1, $0x0;
	_ =	strace $0x90000047  }
0x45: {  	s0 =	sadd.s32 @!p0 $0x100000, s0;
	[bflag:$0x2] =	sbarrier.arrive $0xFFFF  }
0x46: {  	[sflag:s0] =	ssyncadd.tile.s32 @!p0 $0x1;
	_ =	shalt  }
.Lfunc_end2:
_tile_overlayer_lowered:
.L_overlay_start_2:
0x47: {  	(tag) =	ssettag $0x2  }
0x48: {  	s0 =	rddreg [dreg:$0x0];
	s2 =	stileid.u32  }
0x49: {  	s1 =	rddreg [dreg:$0x1];
	p0 =	sne.s32 s2, $0x0  }
0x4a: {  	s3 =	rddreg [dreg:$0x2];
	[bflag:$0x3] =	sbarrier.arrive $0xFFFF;
	s2 =	simm.s32 @!p0 $0x1C02  }
0x4b: {  	[timem:s3], [sflag:s2] =	dma.local @!p0 [hbm:s0], s1  }
0x4c: {  	s0 =	simm.s32 @!p0 $0x2  }
0x4d: {  	_ =	swait.ge @!p0 [sflag:s0], s1  }
0x4e: {  	s1 =	ssub.s32 @!p0 $0x0, s1;
	[sflag:s0] =	ssyncset.done @!p0 $0x0  }
0x4f: {  	[sflag:s0] =	ssyncadd.s32 @!p0 s1  }
0x50: {  	[bflag:$0x3] =	sbarrier.arrive $0xFFFF  }
0x51: {  	_ =	shalt  }

</sc_bundles>
